<compile_context>
chip_gen: v7x
topology: tpu7x:2x2x1
jax: 0.10.2.dev20260603
libtpu: 0.0.44.dev20260713+nightly
codegen_flags: <defaults>
</compile_context>

<pallas_src>
import functools

import jax
import jax.numpy as jnp
from jax import lax
from jax.experimental import pallas as pl
from jax.experimental.pallas import tpu as pltpu
from jax.experimental.pallas import tpu_sc as plsc

BATCH = 16384
N_FIELDS = 26
EMBED_DIM = 16

NC, NS, LANES = 2, 16, 16
NW = NC * NS
B_PER_W = BATCH // NW
IDX_PER_W = B_PER_W * N_FIELDS

FEAT = 1000000
PER_SUB = 62496
SCH = 5208
N_SCH = PER_SUB // SCH
N_BUF = 4
REM = FEAT - NS * PER_SUB


def _first_order_sc(idx_f, w_row):
    mesh = plsc.VectorSubcoreMesh(core_axis_name="c", subcore_axis_name="s")

    @functools.partial(
        pl.kernel,
        out_type=jax.ShapeDtypeStruct((1, BATCH), jnp.float32),
        mesh=mesh,
        scratch_types=[
            pltpu.VMEM((IDX_PER_W,), jnp.int32),
            pltpu.VMEM((IDX_PER_W,), jnp.float32),
            pltpu.VMEM((B_PER_W,), jnp.float32),
            pltpu.VMEM((SCH,), jnp.float32),
            pltpu.VMEM((SCH,), jnp.float32),
            pltpu.VMEM((SCH,), jnp.float32),
            pltpu.VMEM((SCH,), jnp.float32),
            pltpu.VMEM_SHARED((FEAT,), jnp.float32),
            pltpu.SemaphoreType.DMA,
            pltpu.SemaphoreType.DMA,
            pltpu.SemaphoreType.DMA,
            pltpu.SemaphoreType.DMA,
            pltpu.SemaphoreType.DMA,
            pltpu.SemaphoreType.DMA,
            pltpu.SemaphoreType.DMA,
            pltpu.SemaphoreType.DMA,
            pltpu.SemaphoreType.DMA,
            pltpu.SemaphoreType.DMA,
        ],
    )
    def k(idx_hbm, w_hbm, out_hbm, idx_v, vals_v, out_v,
          buf_a, buf_b, buf_c, buf_d,
          w_sh, sem, la, lb, lc, ld, sa, sb, sc_, sd, isem):
        sid = lax.axis_index("s")
        wid = sid * NC + lax.axis_index("c")
        idx_copies = [
            pltpu.make_async_copy(
                idx_hbm.at[pl.ds(f * BATCH + wid * B_PER_W, B_PER_W)],
                idx_v.at[pl.ds(f * B_PER_W, B_PER_W)], isem)
            for f in range(N_FIELDS)
        ]
        for c in idx_copies:
            c.start()

        bufs = (buf_a, buf_b, buf_c, buf_d)
        lsems = (la, lb, lc, ld)
        ssems = (sa, sb, sc_, sd)
        loads = [
            pltpu.make_async_copy(
                w_hbm.at[0].at[pl.ds(sid * PER_SUB + t * SCH, SCH)],
                bufs[t % N_BUF], lsems[t % N_BUF])
            for t in range(N_SCH)
        ]
        stores = [
            pltpu.make_async_copy(
                bufs[t % N_BUF],
                w_sh.at[pl.ds(sid * PER_SUB + t * SCH, SCH)], ssems[t % N_BUF])
            for t in range(N_SCH)
        ]
        LOOK = 2
        for t in range(LOOK):
            loads[t].start()
        for t in range(N_SCH):
            nxt = t + LOOK
            if nxt < N_SCH:
                if nxt - N_BUF >= 0:
                    stores[nxt - N_BUF].wait()
                loads[nxt].start()
            loads[t].wait()
            stores[t].start()
        for t in range(N_SCH - N_BUF, N_SCH):
            stores[t].wait()

        @pl.when(sid == 0)
        def _():
            pltpu.async_copy(w_hbm.at[0].at[pl.ds(NS * PER_SUB, REM)],
                             buf_a.at[pl.ds(0, REM)], la).wait()
            pltpu.async_copy(buf_a.at[pl.ds(0, REM)],
                             w_sh.at[pl.ds(NS * PER_SUB, REM)], sa).wait()

        for c in idx_copies:
            c.wait()
        plsc.subcore_barrier()
        F1 = N_FIELDS // 2
        G1 = F1 * B_PER_W
        g1 = pltpu.make_async_copy(
            w_sh.at[idx_v.at[pl.ds(0, G1)]], vals_v.at[pl.ds(0, G1)], sem)
        g2 = pltpu.make_async_copy(
            w_sh.at[idx_v.at[pl.ds(G1, IDX_PER_W - G1)]],
            vals_v.at[pl.ds(G1, IDX_PER_W - G1)], la)
        g1.start()
        g2.start()
        g1.wait()

        def reduce_pass1(jg, _):
            base = jg * LANES
            acc = vals_v[pl.ds(base, LANES)]
            for f in range(1, F1):
                acc = acc + vals_v[pl.ds(f * B_PER_W + base, LANES)]
            out_v[pl.ds(base, LANES)] = acc
            return 0

        lax.fori_loop(0, B_PER_W // LANES, reduce_pass1, 0, unroll=False)
        g2.wait()

        def reduce_pass2(jg, _):
            base = jg * LANES
            acc = out_v[pl.ds(base, LANES)]
            for f in range(F1, N_FIELDS):
                acc = acc + vals_v[pl.ds(f * B_PER_W + base, LANES)]
            out_v[pl.ds(base, LANES)] = acc
            return 0

        lax.fori_loop(0, B_PER_W // LANES, reduce_pass2, 0, unroll=False)
        pltpu.sync_copy(out_v, out_hbm.at[0].at[pl.ds(wid * B_PER_W, B_PER_W)])

    return k(idx_f, w_row)


def _second_order_tc(et):
    BLK = 2048

    def body(e_ref, out_ref):
        x = e_ref[...]
        s = jnp.sum(x, axis=0)
        t1 = jnp.sum(s * s, axis=0, keepdims=True)
        t2 = jnp.sum(jnp.sum(x * x, axis=0), axis=0, keepdims=True)
        out_ref[...] = 0.5 * (t1 - t2)

    return pl.pallas_call(
        body,
        grid=(BATCH // BLK,),
        in_specs=[pl.BlockSpec((N_FIELDS, EMBED_DIM, BLK), lambda i: (0, 0, i))],
        out_specs=pl.BlockSpec((1, BLK), lambda i: (0, i)),
        out_shape=jax.ShapeDtypeStruct((1, BATCH), jnp.float32),
    )(et)


def _add_tc(a, b):
    def body(a_ref, b_ref, out_ref):
        out_ref[...] = a_ref[...] + b_ref[...]

    return pl.pallas_call(
        body,
        out_shape=jax.ShapeDtypeStruct((1, BATCH), jnp.float32),
    )(a, b)


def kernel(sparse_inputs, embedding_inputs, w):
    idx_f = sparse_inputs.T.reshape(-1)
    first = _first_order_sc(idx_f, w.T)
    second = _second_order_tc(embedding_inputs.transpose(1, 2, 0))
    return _add_tc(first, second).T

# --- scband reference (transcript-rebuilt; emitter-appended) ---
"""Pipeline reference for scband-fmlayer-3307124818635 (READ-ONLY COPY).

The authoritative reference and input builder live on the scoring server;
editing this copy changes nothing except your own understanding.
"""

import jax, jax.numpy as jnp
import numpy as np

FEATURE_LENGTH = 1000000
BATCH = 16384
N_FIELDS = 26
EMBED_DIM = 16

def setup_inputs(seed: int = 0) -> dict:
    key = jax.random.key(seed)
    k1, k2, k3 = jax.random.split(key, 3)
    sparse_inputs = jax.random.randint(k1, (BATCH, N_FIELDS), 0, FEATURE_LENGTH, dtype=jnp.int64 if jax.config.jax_enable_x64 else jnp.int32).astype(jnp.int32)
    embedding_inputs = jax.random.normal(k2, (BATCH, N_FIELDS, EMBED_DIM), dtype=jnp.float32)
    # learned first-order weight table, shape (feature_length, 1), normal init like tf.random_normal_initializer
    w = jax.random.normal(k3, (FEATURE_LENGTH, 1), dtype=jnp.float32) * 0.05
    return {"sparse_inputs": sparse_inputs, "embedding_inputs": embedding_inputs, "w": w}

def reference(sparse_inputs, embedding_inputs, w):
    # first order: embedding_lookup(w, sparse_inputs) -> [B, F, 1]; reduce_sum over fields -> [B, 1]
    first_order = jnp.sum(jnp.take(w, sparse_inputs, axis=0), axis=1)
    # second order (FM trick)
    square_sum = jnp.square(jnp.sum(embedding_inputs, axis=1, keepdims=True))  # [B, 1, D]
    sum_square = jnp.sum(jnp.square(embedding_inputs), axis=1, keepdims=True)  # [B, 1, D]
    second_order = 0.5 * jnp.sum(square_sum - sum_square, axis=2)  # [B, 1]
    return first_order + second_order

if __name__ == "__main__":
    import jax
    _d = setup_inputs()
    print(jax.jit(kernel)(*tuple(_d.values())))

</pallas_src>

<mosaic_0001>
#map = affine_map<(d0, d1) -> (0)>
#map1 = affine_map<(d0, d1) -> (0, 0)>
module attributes {stable_mosaic.version = 14 : i64} {
  func.func @k(%arg0: i32, %arg1: i32, %arg2: memref<425984xi32, #tpu.memory_space<hbm>>, %arg3: memref<1x1000000xf32, #tpu.memory_space<hbm>>, %arg4: memref<1x16384xf32, #tpu.memory_space<hbm>>, %arg5: memref<13312xi32, #tpu.memory_space<vmem>>, %arg6: memref<13312xf32, #tpu.memory_space<vmem>>, %arg7: memref<512xf32, #tpu.memory_space<vmem>>, %arg8: memref<5208xf32, #tpu.memory_space<vmem>>, %arg9: memref<5208xf32, #tpu.memory_space<vmem>>, %arg10: memref<5208xf32, #tpu.memory_space<vmem>>, %arg11: memref<5208xf32, #tpu.memory_space<vmem>>, %arg12: memref<1000000xf32, #tpu.memory_space<vmem_shared>>, %arg13: memref<!tpu.dma_semaphore, #tpu.memory_space<semaphore_mem>>, %arg14: memref<!tpu.dma_semaphore, #tpu.memory_space<semaphore_mem>>, %arg15: memref<!tpu.dma_semaphore, #tpu.memory_space<semaphore_mem>>, %arg16: memref<!tpu.dma_semaphore, #tpu.memory_space<semaphore_mem>>, %arg17: memref<!tpu.dma_semaphore, #tpu.memory_space<semaphore_mem>>, %arg18: memref<!tpu.dma_semaphore, #tpu.memory_space<semaphore_mem>>, %arg19: memref<!tpu.dma_semaphore, #tpu.memory_space<semaphore_mem>>, %arg20: memref<!tpu.dma_semaphore, #tpu.memory_space<semaphore_mem>>, %arg21: memref<!tpu.dma_semaphore, #tpu.memory_space<semaphore_mem>>, %arg22: memref<!tpu.dma_semaphore, #tpu.memory_space<semaphore_mem>>) attributes {dimension_semantics = [#tpu.dimension_semantics<core_parallel>, #tpu.dimension_semantics<subcore_parallel>], iteration_bounds = array<i64: 2, 16>, scalar_prefetch = 0 : i64, scratch_operands = 18 : i64, tpu.core_type = #tpu.core_type<sc_vector_subcore>, window_params = [{transform_indices = #map}, {transform_indices = #map1}, {transform_indices = #map1}]} {
    %mul3A = arith.constant 2 : i32
    %mul3A_0 = arith.muli %arg1, %mul3A : i32
    %add3A = arith.addi %mul3A_0, %arg0 : i32
    %mul3A_1 = arith.constant 512 : i32
    %mul3A_2 = arith.muli %add3A, %mul3A_1 : i32
    %add3A_3 = arith.constant 0 : i32
    %add3A_4 = arith.addi %add3A_3, %mul3A_2 : i32
    %mul3A_5 = arith.constant 512 : i32
    %mul3A_6 = arith.muli %add3A, %mul3A_5 : i32
    %add3A_7 = arith.constant 16384 : i32
    %add3A_8 = arith.addi %add3A_7, %mul3A_6 : i32
    %mul3A_9 = arith.constant 512 : i32
    %mul3A_10 = arith.muli %add3A, %mul3A_9 : i32
    %add3A_11 = arith.constant 32768 : i32
    %add3A_12 = arith.addi %add3A_11, %mul3A_10 : i32
    %mul3A_13 = arith.constant 512 : i32
    %mul3A_14 = arith.muli %add3A, %mul3A_13 : i32
    %add3A_15 = arith.constant 49152 : i32
    %add3A_16 = arith.addi %add3A_15, %mul3A_14 : i32
    %mul3A_17 = arith.constant 512 : i32
    %mul3A_18 = arith.muli %add3A, %mul3A_17 : i32
    %add3A_19 = arith.constant 65536 : i32
    %add3A_20 = arith.addi %add3A_19, %mul3A_18 : i32
    %mul3A_21 = arith.constant 512 : i32
    %mul3A_22 = arith.muli %add3A, %mul3A_21 : i32
    %add3A_23 = arith.constant 81920 : i32
    %add3A_24 = arith.addi %add3A_23, %mul3A_22 : i32
    %mul3A_25 = arith.constant 512 : i32
    %mul3A_26 = arith.muli %add3A, %mul3A_25 : i32
    %add3A_27 = arith.constant 98304 : i32
    %add3A_28 = arith.addi %add3A_27, %mul3A_26 : i32
    %mul3A_29 = arith.constant 512 : i32
    %mul3A_30 = arith.muli %add3A, %mul3A_29 : i32
    %add3A_31 = arith.constant 114688 : i32
    %add3A_32 = arith.addi %add3A_31, %mul3A_30 : i32
    %mul3A_33 = arith.constant 512 : i32
    %mul3A_34 = arith.muli %add3A, %mul3A_33 : i32
    %add3A_35 = arith.constant 131072 : i32
    %add3A_36 = arith.addi %add3A_35, %mul3A_34 : i32
    %mul3A_37 = arith.constant 512 : i32
    %mul3A_38 = arith.muli %add3A, %mul3A_37 : i32
    %add3A_39 = arith.constant 147456 : i32
    %add3A_40 = arith.addi %add3A_39, %mul3A_38 : i32
    %mul3A_41 = arith.constant 512 : i32
    %mul3A_42 = arith.muli %add3A, %mul3A_41 : i32
    %add3A_43 = arith.constant 163840 : i32
    %add3A_44 = arith.addi %add3A_43, %mul3A_42 : i32
    %mul3A_45 = arith.constant 512 : i32
    %mul3A_46 = arith.muli %add3A, %mul3A_45 : i32
    %add3A_47 = arith.constant 180224 : i32
    %add3A_48 = arith.addi %add3A_47, %mul3A_46 : i32
    %mul3A_49 = arith.constant 512 : i32
    %mul3A_50 = arith.muli %add3A, %mul3A_49 : i32
    %add3A_51 = arith.constant 196608 : i32
    %add3A_52 = arith.addi %add3A_51, %mul3A_50 : i32
    %mul3A_53 = arith.constant 512 : i32
    %mul3A_54 = arith.muli %add3A, %mul3A_53 : i32
    %add3A_55 = arith.constant 212992 : i32
    %add3A_56 = arith.addi %add3A_55, %mul3A_54 : i32
    %mul3A_57 = arith.constant 512 : i32
    %mul3A_58 = arith.muli %add3A, %mul3A_57 : i32
    %add3A_59 = arith.constant 229376 : i32
    %add3A_60 = arith.addi %add3A_59, %mul3A_58 : i32
    %mul3A_61 = arith.constant 512 : i32
    %mul3A_62 = arith.muli %add3A, %mul3A_61 : i32
    %add3A_63 = arith.constant 245760 : i32
    %add3A_64 = arith.addi %add3A_63, %mul3A_62 : i32
    %mul3A_65 = arith.constant 512 : i32
    %mul3A_66 = arith.muli %add3A, %mul3A_65 : i32
    %add3A_67 = arith.constant 262144 : i32
    %add3A_68 = arith.addi %add3A_67, %mul3A_66 : i32
    %mul3A_69 = arith.constant 512 : i32
    %mul3A_70 = arith.muli %add3A, %mul3A_69 : i32
    %add3A_71 = arith.constant 278528 : i32
    %add3A_72 = arith.addi %add3A_71, %mul3A_70 : i32
    %mul3A_73 = arith.constant 512 : i32
    %mul3A_74 = arith.muli %add3A, %mul3A_73 : i32
    %add3A_75 = arith.constant 294912 : i32
    %add3A_76 = arith.addi %add3A_75, %mul3A_74 : i32
    %mul3A_77 = arith.constant 512 : i32
    %mul3A_78 = arith.muli %add3A, %mul3A_77 : i32
    %add3A_79 = arith.constant 311296 : i32
    %add3A_80 = arith.addi %add3A_79, %mul3A_78 : i32
    %mul3A_81 = arith.constant 512 : i32
    %mul3A_82 = arith.muli %add3A, %mul3A_81 : i32
    %add3A_83 = arith.constant 327680 : i32
    %add3A_84 = arith.addi %add3A_83, %mul3A_82 : i32
    %mul3A_85 = arith.constant 512 : i32
    %mul3A_86 = arith.muli %add3A, %mul3A_85 : i32
    %add3A_87 = arith.constant 344064 : i32
    %add3A_88 = arith.addi %add3A_87, %mul3A_86 : i32
    %mul3A_89 = arith.constant 512 : i32
    %mul3A_90 = arith.muli %add3A, %mul3A_89 : i32
    %add3A_91 = arith.constant 360448 : i32
    %add3A_92 = arith.addi %add3A_91, %mul3A_90 : i32
    %mul3A_93 = arith.constant 512 : i32
    %mul3A_94 = arith.muli %add3A, %mul3A_93 : i32
    %add3A_95 = arith.constant 376832 : i32
    %add3A_96 = arith.addi %add3A_95, %mul3A_94 : i32
    %mul3A_97 = arith.constant 512 : i32
    %mul3A_98 = arith.muli %add3A, %mul3A_97 : i32
    %add3A_99 = arith.constant 393216 : i32
    %add3A_100 = arith.addi %add3A_99, %mul3A_98 : i32
    %mul3A_101 = arith.constant 512 : i32
    %mul3A_102 = arith.muli %add3A, %mul3A_101 : i32
    %add3A_103 = arith.constant 409600 : i32
    %add3A_104 = arith.addi %add3A_103, %mul3A_102 : i32
    %dma_start3A = arith.constant 0 : i32
    %dma_start3A_105 = tpu.memref_slice %arg5[%dma_start3A] : memref<13312xi32, #tpu.memory_space<vmem>> -> memref<512xi32, #tpu.memory_space<vmem>>
    %dma_start3A_106 = tpu.memref_slice %arg2[%add3A_4] : memref<425984xi32, #tpu.memory_space<hbm>> -> memref<512xi32, #tpu.memory_space<hbm>>
    %dma_start3A_107 = arith.constant 0 : i32
    %dma_start3A_108 = tpu.memref_slice %arg5[%dma_start3A_107] : memref<13312xi32, #tpu.memory_space<vmem>> -> memref<512xi32, #tpu.memory_space<vmem>>
    %dma_start3A_109 = tpu.memref_slice %arg2[%add3A_4] : memref<425984xi32, #tpu.memory_space<hbm>> -> memref<512xi32, #tpu.memory_space<hbm>>
    tpu.enqueue_dma source(%dma_start3A_109 : memref<512xi32, #tpu.memory_space<hbm>>) target(%dma_start3A_108 : memref<512xi32, #tpu.memory_space<vmem>>) target_semaphore(%arg22 : memref<!tpu.dma_semaphore, #tpu.memory_space<semaphore_mem>>)
    %dma_start3A_110 = arith.constant 512 : i32
    %dma_start3A_111 = tpu.memref_slice %arg5[%dma_start3A_110] : memref<13312xi32, #tpu.memory_space<vmem>> -> memref<512xi32, #tpu.memory_space<vmem>>
    %dma_start3A_112 = tpu.memref_slice %arg2[%add3A_8] : memref<425984xi32, #tpu.memory_space<hbm>> -> memref<512xi32, #tpu.memory_space<hbm>>
    %dma_start3A_113 = arith.constant 512 : i32
    %dma_start3A_114 = tpu.memref_slice %arg5[%dma_start3A_113] : memref<13312xi32, #tpu.memory_space<vmem>> -> memref<512xi32, #tpu.memory_space<vmem>>
    %dma_start3A_115 = tpu.memref_slice %arg2[%add3A_8] : memref<425984xi32, #tpu.memory_space<hbm>> -> memref<512xi32, #tpu.memory_space<hbm>>
    tpu.enqueue_dma source(%dma_start3A_115 : memref<512xi32, #tpu.memory_space<hbm>>) target(%dma_start3A_114 : memref<512xi32, #tpu.memory_space<vmem>>) target_semaphore(%arg22 : memref<!tpu.dma_semaphore, #tpu.memory_space<semaphore_mem>>)
    %dma_start3A_116 = arith.constant 1024 : i32
    %dma_start3A_117 = tpu.memref_slice %arg5[%dma_start3A_116] : memref<13312xi32, #tpu.memory_space<vmem>> -> memref<512xi32, #tpu.memory_space<vmem>>
    %dma_start3A_118 = tpu.memref_slice %arg2[%add3A_12] : memref<425984xi32, #tpu.memory_space<hbm>> -> memref<512xi32, #tpu.memory_space<hbm>>
    %dma_start3A_119 = arith.constant 1024 : i32
    %dma_start3A_120 = tpu.memref_slice %arg5[%dma_start3A_119] : memref<13312xi32, #tpu.memory_space<vmem>> -> memref<512xi32, #tpu.memory_space<vmem>>
    %dma_start3A_121 = tpu.memref_slice %arg2[%add3A_12] : memref<425984xi32, #tpu.memory_space<hbm>> -> memref<512xi32, #tpu.memory_space<hbm>>
    tpu.enqueue_dma source(%dma_start3A_121 : memref<512xi32, #tpu.memory_space<hbm>>) target(%dma_start3A_120 : memref<512xi32, #tpu.memory_space<vmem>>) target_semaphore(%arg22 : memref<!tpu.dma_semaphore, #tpu.memory_space<semaphore_mem>>)
    %dma_start3A_122 = arith.constant 1536 : i32
    %dma_start3A_123 = tpu.memref_slice %arg5[%dma_start3A_122] : memref<13312xi32, #tpu.memory_space<vmem>> -> memref<512xi32, #tpu.memory_space<vmem>>
    %dma_start3A_124 = tpu.memref_slice %arg2[%add3A_16] : memref<425984xi32, #tpu.memory_space<hbm>> -> memref<512xi32, #tpu.memory_space<hbm>>
    %dma_start3A_125 = arith.constant 1536 : i32
    %dma_start3A_126 = tpu.memref_slice %arg5[%dma_start3A_125] : memref<13312xi32, #tpu.memory_space<vmem>> -> memref<512xi32, #tpu.memory_space<vmem>>
    %dma_start3A_127 = tpu.memref_slice %arg2[%add3A_16] : memref<425984xi32, #tpu.memory_space<hbm>> -> memref<512xi32, #tpu.memory_space<hbm>>
    tpu.enqueue_dma source(%dma_start3A_127 : memref<512xi32, #tpu.memory_space<hbm>>) target(%dma_start3A_126 : memref<512xi32, #tpu.memory_space<vmem>>) target_semaphore(%arg22 : memref<!tpu.dma_semaphore, #tpu.memory_space<semaphore_mem>>)
    %dma_start3A_128 = arith.constant 2048 : i32
    %dma_start3A_129 = tpu.memref_slice %arg5[%dma_start3A_128] : memref<13312xi32, #tpu.memory_space<vmem>> -> memref<512xi32, #tpu.memory_space<vmem>>
    %dma_start3A_130 = tpu.memref_slice %arg2[%add3A_20] : memref<425984xi32, #tpu.memory_space<hbm>> -> memref<512xi32, #tpu.memory_space<hbm>>
    %dma_start3A_131 = arith.constant 2048 : i32
    %dma_start3A_132 = tpu.memref_slice %arg5[%dma_start3A_131] : memref<13312xi32, #tpu.memory_space<vmem>> -> memref<512xi32, #tpu.memory_space<vmem>>
    %dma_start3A_133 = tpu.memref_slice %arg2[%add3A_20] : memref<425984xi32, #tpu.memory_space<hbm>> -> memref<512xi32, #tpu.memory_space<hbm>>
    tpu.enqueue_dma source(%dma_start3A_133 : memref<512xi32, #tpu.memory_space<hbm>>) target(%dma_start3A_132 : memref<512xi32, #tpu.memory_space<vmem>>) target_semaphore(%arg22 : memref<!tpu.dma_semaphore, #tpu.memory_space<semaphore_mem>>)
    %dma_start3A_134 = arith.constant 2560 : i32
    %dma_start3A_135 = tpu.memref_slice %arg5[%dma_start3A_134] : memref<13312xi32, #tpu.memory_space<vmem>> -> memref<512xi32, #tpu.memory_space<vmem>>
    %dma_start3A_136 = tpu.memref_slice %arg2[%add3A_24] : memref<425984xi32, #tpu.memory_space<hbm>> -> memref<512xi32, #tpu.memory_space<hbm>>
    %dma_start3A_137 = arith.constant 2560 : i32
    %dma_start3A_138 = tpu.memref_slice %arg5[%dma_start3A_137] : memref<13312xi32, #tpu.memory_space<vmem>> -> memref<512xi32, #tpu.memory_space<vmem>>
    %dma_start3A_139 = tpu.memref_slice %arg2[%add3A_24] : memref<425984xi32, #tpu.memory_space<hbm>> -> memref<512xi32, #tpu.memory_space<hbm>>
    tpu.enqueue_dma source(%dma_start3A_139 : memref<512xi32, #tpu.memory_space<hbm>>) target(%dma_start3A_138 : memref<512xi32, #tpu.memory_space<vmem>>) target_semaphore(%arg22 : memref<!tpu.dma_semaphore, #tpu.memory_space<semaphore_mem>>)
    %dma_start3A_140 = arith.constant 3072 : i32
    %dma_start3A_141 = tpu.memref_slice %arg5[%dma_start3A_140] : memref<13312xi32, #tpu.memory_space<vmem>> -> memref<512xi32, #tpu.memory_space<vmem>>
    %dma_start3A_142 = tpu.memref_slice %arg2[%add3A_28] : memref<425984xi32, #tpu.memory_space<hbm>> -> memref<512xi32, #tpu.memory_space<hbm>>
    %dma_start3A_143 = arith.constant 3072 : i32
    %dma_start3A_144 = tpu.memref_slice %arg5[%dma_start3A_143] : memref<13312xi32, #tpu.memory_space<vmem>> -> memref<512xi32, #tpu.memory_space<vmem>>
    %dma_start3A_145 = tpu.memref_slice %arg2[%add3A_28] : memref<425984xi32, #tpu.memory_space<hbm>> -> memref<512xi32, #tpu.memory_space<hbm>>
    tpu.enqueue_dma source(%dma_start3A_145 : memref<512xi32, #tpu.memory_space<hbm>>) target(%dma_start3A_144 : memref<512xi32, #tpu.memory_space<vmem>>) target_semaphore(%arg22 : memref<!tpu.dma_semaphore, #tpu.memory_space<semaphore_mem>>)
    %dma_start3A_146 = arith.constant 3584 : i32
    %dma_start3A_147 = tpu.memref_slice %arg5[%dma_start3A_146] : memref<13312xi32, #tpu.memory_space<vmem>> -> memref<512xi32, #tpu.memory_space<vmem>>
    %dma_start3A_148 = tpu.memref_slice %arg2[%add3A_32] : memref<425984xi32, #tpu.memory_space<hbm>> -> memref<512xi32, #tpu.memory_space<hbm>>
    %dma_start3A_149 = arith.constant 3584 : i32
    %dma_start3A_150 = tpu.memref_slice %arg5[%dma_start3A_149] : memref<13312xi32, #tpu.memory_space<vmem>> -> memref<512xi32, #tpu.memory_space<vmem>>
    %dma_start3A_151 = tpu.memref_slice %arg2[%add3A_32] : memref<425984xi32, #tpu.memory_space<hbm>> -> memref<512xi32, #tpu.memory_space<hbm>>
    tpu.enqueue_dma source(%dma_start3A_151 : memref<512xi32, #tpu.memory_space<hbm>>) target(%dma_start3A_150 : memref<512xi32, #tpu.memory_space<vmem>>) target_semaphore(%arg22 : memref<!tpu.dma_semaphore, #tpu.memory_space<semaphore_mem>>)
    %dma_start3A_152 = arith.constant 4096 : i32
    %dma_start3A_153 = tpu.memref_slice %arg5[%dma_start3A_152] : memref<13312xi32, #tpu.memory_space<vmem>> -> memref<512xi32, #tpu.memory_space<vmem>>
    %dma_start3A_154 = tpu.memref_slice %arg2[%add3A_36] : memref<425984xi32, #tpu.memory_space<hbm>> -> memref<512xi32, #tpu.memory_space<hbm>>
    %dma_start3A_155 = arith.constant 4096 : i32
    %dma_start3A_156 = tpu.memref_slice %arg5[%dma_start3A_155] : memref<13312xi32, #tpu.memory_space<vmem>> -> memref<512xi32, #tpu.memory_space<vmem>>
    %dma_start3A_157 = tpu.memref_slice %arg2[%add3A_36] : memref<425984xi32, #tpu.memory_space<hbm>> -> memref<512xi32, #tpu.memory_space<hbm>>
    tpu.enqueue_dma source(%dma_start3A_157 : memref<512xi32, #tpu.memory_space<hbm>>) target(%dma_start3A_156 : memref<512xi32, #tpu.memory_space<vmem>>) target_semaphore(%arg22 : memref<!tpu.dma_semaphore, #tpu.memory_space<semaphore_mem>>)
    %dma_start3A_158 = arith.constant 4608 : i32
    %dma_start3A_159 = tpu.memref_slice %arg5[%dma_start3A_158] : memref<13312xi32, #tpu.memory_space<vmem>> -> memref<512xi32, #tpu.memory_space<vmem>>
    %dma_start3A_160 = tpu.memref_slice %arg2[%add3A_40] : memref<425984xi32, #tpu.memory_space<hbm>> -> memref<512xi32, #tpu.memory_space<hbm>>
    %dma_start3A_161 = arith.constant 4608 : i32
    %dma_start3A_162 = tpu.memref_slice %arg5[%dma_start3A_161] : memref<13312xi32, #tpu.memory_space<vmem>> -> memref<512xi32, #tpu.memory_space<vmem>>
    %dma_start3A_163 = tpu.memref_slice %arg2[%add3A_40] : memref<425984xi32, #tpu.memory_space<hbm>> -> memref<512xi32, #tpu.memory_space<hbm>>
    tpu.enqueue_dma source(%dma_start3A_163 : memref<512xi32, #tpu.memory_space<hbm>>) target(%dma_start3A_162 : memref<512xi32, #tpu.memory_space<vmem>>) target_semaphore(%arg22 : memref<!tpu.dma_semaphore, #tpu.memory_space<semaphore_mem>>)
    %dma_start3A_164 = arith.constant 5120 : i32
    %dma_start3A_165 = tpu.memref_slice %arg5[%dma_start3A_164] : memref<13312xi32, #tpu.memory_space<vmem>> -> memref<512xi32, #tpu.memory_space<vmem>>
    %dma_start3A_166 = tpu.memref_slice %arg2[%add3A_44] : memref<425984xi32, #tpu.memory_space<hbm>> -> memref<512xi32, #tpu.memory_space<hbm>>
    %dma_start3A_167 = arith.constant 5120 : i32
    %dma_start3A_168 = tpu.memref_slice %arg5[%dma_start3A_167] : memref<13312xi32, #tpu.memory_space<vmem>> -> memref<512xi32, #tpu.memory_space<vmem>>
    %dma_start3A_169 = tpu.memref_slice %arg2[%add3A_44] : memref<425984xi32, #tpu.memory_space<hbm>> -> memref<512xi32, #tpu.memory_space<hbm>>
    tpu.enqueue_dma source(%dma_start3A_169 : memref<512xi32, #tpu.memory_space<hbm>>) target(%dma_start3A_168 : memref<512xi32, #tpu.memory_space<vmem>>) target_semaphore(%arg22 : memref<!tpu.dma_semaphore, #tpu.memory_space<semaphore_mem>>)
    %dma_start3A_170 = arith.constant 5632 : i32
    %dma_start3A_171 = tpu.memref_slice %arg5[%dma_start3A_170] : memref<13312xi32, #tpu.memory_space<vmem>> -> memref<512xi32, #tpu.memory_space<vmem>>
    %dma_start3A_172 = tpu.memref_slice %arg2[%add3A_48] : memref<425984xi32, #tpu.memory_space<hbm>> -> memref<512xi32, #tpu.memory_space<hbm>>
    %dma_start3A_173 = arith.constant 5632 : i32
    %dma_start3A_174 = tpu.memref_slice %arg5[%dma_start3A_173] : memref<13312xi32, #tpu.memory_space<vmem>> -> memref<512xi32, #tpu.memory_space<vmem>>
    %dma_start3A_175 = tpu.memref_slice %arg2[%add3A_48] : memref<425984xi32, #tpu.memory_space<hbm>> -> memref<512xi32, #tpu.memory_space<hbm>>
    tpu.enqueue_dma source(%dma_start3A_175 : memref<512xi32, #tpu.memory_space<hbm>>) target(%dma_start3A_174 : memref<512xi32, #tpu.memory_space<vmem>>) target_semaphore(%arg22 : memref<!tpu.dma_semaphore, #tpu.memory_space<semaphore_mem>>)
    %dma_start3A_176 = arith.constant 6144 : i32
    %dma_start3A_177 = tpu.memref_slice %arg5[%dma_start3A_176] : memref<13312xi32, #tpu.memory_space<vmem>> -> memref<512xi32, #tpu.memory_space<vmem>>
    %dma_start3A_178 = tpu.memref_slice %arg2[%add3A_52] : memref<425984xi32, #tpu.memory_space<hbm>> -> memref<512xi32, #tpu.memory_space<hbm>>
    %dma_start3A_179 = arith.constant 6144 : i32
    %dma_start3A_180 = tpu.memref_slice %arg5[%dma_start3A_179] : memref<13312xi32, #tpu.memory_space<vmem>> -> memref<512xi32, #tpu.memory_space<vmem>>
    %dma_start3A_181 = tpu.memref_slice %arg2[%add3A_52] : memref<425984xi32, #tpu.memory_space<hbm>> -> memref<512xi32, #tpu.memory_space<hbm>>
    tpu.enqueue_dma source(%dma_start3A_181 : memref<512xi32, #tpu.memory_space<hbm>>) target(%dma_start3A_180 : memref<512xi32, #tpu.memory_space<vmem>>) target_semaphore(%arg22 : memref<!tpu.dma_semaphore, #tpu.memory_space<semaphore_mem>>)
    %dma_start3A_182 = arith.constant 6656 : i32
    %dma_start3A_183 = tpu.memref_slice %arg5[%dma_start3A_182] : memref<13312xi32, #tpu.memory_space<vmem>> -> memref<512xi32, #tpu.memory_space<vmem>>
    %dma_start3A_184 = tpu.memref_slice %arg2[%add3A_56] : memref<425984xi32, #tpu.memory_space<hbm>> -> memref<512xi32, #tpu.memory_space<hbm>>
    %dma_start3A_185 = arith.constant 6656 : i32
    %dma_start3A_186 = tpu.memref_slice %arg5[%dma_start3A_185] : memref<13312xi32, #tpu.memory_space<vmem>> -> memref<512xi32, #tpu.memory_space<vmem>>
    %dma_start3A_187 = tpu.memref_slice %arg2[%add3A_56] : memref<425984xi32, #tpu.memory_space<hbm>> -> memref<512xi32, #tpu.memory_space<hbm>>
    tpu.enqueue_dma source(%dma_start3A_187 : memref<512xi32, #tpu.memory_space<hbm>>) target(%dma_start3A_186 : memref<512xi32, #tpu.memory_space<vmem>>) target_semaphore(%arg22 : memref<!tpu.dma_semaphore, #tpu.memory_space<semaphore_mem>>)
    %dma_start3A_188 = arith.constant 7168 : i32
    %dma_start3A_189 = tpu.memref_slice %arg5[%dma_start3A_188] : memref<13312xi32, #tpu.memory_space<vmem>> -> memref<512xi32, #tpu.memory_space<vmem>>
    %dma_start3A_190 = tpu.memref_slice %arg2[%add3A_60] : memref<425984xi32, #tpu.memory_space<hbm>> -> memref<512xi32, #tpu.memory_space<hbm>>
    %dma_start3A_191 = arith.constant 7168 : i32
    %dma_start3A_192 = tpu.memref_slice %arg5[%dma_start3A_191] : memref<13312xi32, #tpu.memory_space<vmem>> -> memref<512xi32, #tpu.memory_space<vmem>>
    %dma_start3A_193 = tpu.memref_slice %arg2[%add3A_60] : memref<425984xi32, #tpu.memory_space<hbm>> -> memref<512xi32, #tpu.memory_space<hbm>>
    tpu.enqueue_dma source(%dma_start3A_193 : memref<512xi32, #tpu.memory_space<hbm>>) target(%dma_start3A_192 : memref<512xi32, #tpu.memory_space<vmem>>) target_semaphore(%arg22 : memref<!tpu.dma_semaphore, #tpu.memory_space<semaphore_mem>>)
    %dma_start3A_194 = arith.constant 7680 : i32
    %dma_start3A_195 = tpu.memref_slice %arg5[%dma_start3A_194] : memref<13312xi32, #tpu.memory_space<vmem>> -> memref<512xi32, #tpu.memory_space<vmem>>
    %dma_start3A_196 = tpu.memref_slice %arg2[%add3A_64] : memref<425984xi32, #tpu.memory_space<hbm>> -> memref<512xi32, #tpu.memory_space<hbm>>
    %dma_start3A_197 = arith.constant 7680 : i32
    %dma_start3A_198 = tpu.memref_slice %arg5[%dma_start3A_197] : memref<13312xi32, #tpu.memory_space<vmem>> -> memref<512xi32, #tpu.memory_space<vmem>>
    %dma_start3A_199 = tpu.memref_slice %arg2[%add3A_64] : memref<425984xi32, #tpu.memory_space<hbm>> -> memref<512xi32, #tpu.memory_space<hbm>>
    tpu.enqueue_dma source(%dma_start3A_199 : memref<512xi32, #tpu.memory_space<hbm>>) target(%dma_start3A_198 : memref<512xi32, #tpu.memory_space<vmem>>) target_semaphore(%arg22 : memref<!tpu.dma_semaphore, #tpu.memory_space<semaphore_mem>>)
    %dma_start3A_200 = arith.constant 8192 : i32
    %dma_start3A_201 = tpu.memref_slice %arg5[%dma_start3A_200] : memref<13312xi32, #tpu.memory_space<vmem>> -> memref<512xi32, #tpu.memory_space<vmem>>
    %dma_start3A_202 = tpu.memref_slice %arg2[%add3A_68] : memref<425984xi32, #tpu.memory_space<hbm>> -> memref<512xi32, #tpu.memory_space<hbm>>
    %dma_start3A_203 = arith.constant 8192 : i32
    %dma_start3A_204 = tpu.memref_slice %arg5[%dma_start3A_203] : memref<13312xi32, #tpu.memory_space<vmem>> -> memref<512xi32, #tpu.memory_space<vmem>>
    %dma_start3A_205 = tpu.memref_slice %arg2[%add3A_68] : memref<425984xi32, #tpu.memory_space<hbm>> -> memref<512xi32, #tpu.memory_space<hbm>>
    tpu.enqueue_dma source(%dma_start3A_205 : memref<512xi32, #tpu.memory_space<hbm>>) target(%dma_start3A_204 : memref<512xi32, #tpu.memory_space<vmem>>) target_semaphore(%arg22 : memref<!tpu.dma_semaphore, #tpu.memory_space<semaphore_mem>>)
    %dma_start3A_206 = arith.constant 8704 : i32
    %dma_start3A_207 = tpu.memref_slice %arg5[%dma_start3A_206] : memref<13312xi32, #tpu.memory_space<vmem>> -> memref<512xi32, #tpu.memory_space<vmem>>
    %dma_start3A_208 = tpu.memref_slice %arg2[%add3A_72] : memref<425984xi32, #tpu.memory_space<hbm>> -> memref<512xi32, #tpu.memory_space<hbm>>
    %dma_start3A_209 = arith.constant 8704 : i32
    %dma_start3A_210 = tpu.memref_slice %arg5[%dma_start3A_209] : memref<13312xi32, #tpu.memory_space<vmem>> -> memref<512xi32, #tpu.memory_space<vmem>>
    %dma_start3A_211 = tpu.memref_slice %arg2[%add3A_72] : memref<425984xi32, #tpu.memory_space<hbm>> -> memref<512xi32, #tpu.memory_space<hbm>>
    tpu.enqueue_dma source(%dma_start3A_211 : memref<512xi32, #tpu.memory_space<hbm>>) target(%dma_start3A_210 : memref<512xi32, #tpu.memory_space<vmem>>) target_semaphore(%arg22 : memref<!tpu.dma_semaphore, #tpu.memory_space<semaphore_mem>>)
    %dma_start3A_212 = arith.constant 9216 : i32
    %dma_start3A_213 = tpu.memref_slice %arg5[%dma_start3A_212] : memref<13312xi32, #tpu.memory_space<vmem>> -> memref<512xi32, #tpu.memory_space<vmem>>
    %dma_start3A_214 = tpu.memref_slice %arg2[%add3A_76] : memref<425984xi32, #tpu.memory_space<hbm>> -> memref<512xi32, #tpu.memory_space<hbm>>
    %dma_start3A_215 = arith.constant 9216 : i32
    %dma_start3A_216 = tpu.memref_slice %arg5[%dma_start3A_215] : memref<13312xi32, #tpu.memory_space<vmem>> -> memref<512xi32, #tpu.memory_space<vmem>>
    %dma_start3A_217 = tpu.memref_slice %arg2[%add3A_76] : memref<425984xi32, #tpu.memory_space<hbm>> -> memref<512xi32, #tpu.memory_space<hbm>>
    tpu.enqueue_dma source(%dma_start3A_217 : memref<512xi32, #tpu.memory_space<hbm>>) target(%dma_start3A_216 : memref<512xi32, #tpu.memory_space<vmem>>) target_semaphore(%arg22 : memref<!tpu.dma_semaphore, #tpu.memory_space<semaphore_mem>>)
    %dma_start3A_218 = arith.constant 9728 : i32
    %dma_start3A_219 = tpu.memref_slice %arg5[%dma_start3A_218] : memref<13312xi32, #tpu.memory_space<vmem>> -> memref<512xi32, #tpu.memory_space<vmem>>
    %dma_start3A_220 = tpu.memref_slice %arg2[%add3A_80] : memref<425984xi32, #tpu.memory_space<hbm>> -> memref<512xi32, #tpu.memory_space<hbm>>
    %dma_start3A_221 = arith.constant 9728 : i32
    %dma_start3A_222 = tpu.memref_slice %arg5[%dma_start3A_221] : memref<13312xi32, #tpu.memory_space<vmem>> -> memref<512xi32, #tpu.memory_space<vmem>>
    %dma_start3A_223 = tpu.memref_slice %arg2[%add3A_80] : memref<425984xi32, #tpu.memory_space<hbm>> -> memref<512xi32, #tpu.memory_space<hbm>>
    tpu.enqueue_dma source(%dma_start3A_223 : memref<512xi32, #tpu.memory_space<hbm>>) target(%dma_start3A_222 : memref<512xi32, #tpu.memory_space<vmem>>) target_semaphore(%arg22 : memref<!tpu.dma_semaphore, #tpu.memory_space<semaphore_mem>>)
    %dma_start3A_224 = arith.constant 10240 : i32
    %dma_start3A_225 = tpu.memref_slice %arg5[%dma_start3A_224] : memref<13312xi32, #tpu.memory_space<vmem>> -> memref<512xi32, #tpu.memory_space<vmem>>
    %dma_start3A_226 = tpu.memref_slice %arg2[%add3A_84] : memref<425984xi32, #tpu.memory_space<hbm>> -> memref<512xi32, #tpu.memory_space<hbm>>
    %dma_start3A_227 = arith.constant 10240 : i32
    %dma_start3A_228 = tpu.memref_slice %arg5[%dma_start3A_227] : memref<13312xi32, #tpu.memory_space<vmem>> -> memref<512xi32, #tpu.memory_space<vmem>>
    %dma_start3A_229 = tpu.memref_slice %arg2[%add3A_84] : memref<425984xi32, #tpu.memory_space<hbm>> -> memref<512xi32, #tpu.memory_space<hbm>>
    tpu.enqueue_dma source(%dma_start3A_229 : memref<512xi32, #tpu.memory_space<hbm>>) target(%dma_start3A_228 : memref<512xi32, #tpu.memory_space<vmem>>) target_semaphore(%arg22 : memref<!tpu.dma_semaphore, #tpu.memory_space<semaphore_mem>>)
    %dma_start3A_230 = arith.constant 10752 : i32
    %dma_start3A_231 = tpu.memref_slice %arg5[%dma_start3A_230] : memref<13312xi32, #tpu.memory_space<vmem>> -> memref<512xi32, #tpu.memory_space<vmem>>
    %dma_start3A_232 = tpu.memref_slice %arg2[%add3A_88] : memref<425984xi32, #tpu.memory_space<hbm>> -> memref<512xi32, #tpu.memory_space<hbm>>
    %dma_start3A_233 = arith.constant 10752 : i32
    %dma_start3A_234 = tpu.memref_slice %arg5[%dma_start3A_233] : memref<13312xi32, #tpu.memory_space<vmem>> -> memref<512xi32, #tpu.memory_space<vmem>>
    %dma_start3A_235 = tpu.memref_slice %arg2[%add3A_88] : memref<425984xi32, #tpu.memory_space<hbm>> -> memref<512xi32, #tpu.memory_space<hbm>>
    tpu.enqueue_dma source(%dma_start3A_235 : memref<512xi32, #tpu.memory_space<hbm>>) target(%dma_start3A_234 : memref<512xi32, #tpu.memory_space<vmem>>) target_semaphore(%arg22 : memref<!tpu.dma_semaphore, #tpu.memory_space<semaphore_mem>>)
    %dma_start3A_236 = arith.constant 11264 : i32
    %dma_start3A_237 = tpu.memref_slice %arg5[%dma_start3A_236] : memref<13312xi32, #tpu.memory_space<vmem>> -> memref<512xi32, #tpu.memory_space<vmem>>
    %dma_start3A_238 = tpu.memref_slice %arg2[%add3A_92] : memref<425984xi32, #tpu.memory_space<hbm>> -> memref<512xi32, #tpu.memory_space<hbm>>
    %dma_start3A_239 = arith.constant 11264 : i32
    %dma_start3A_240 = tpu.memref_slice %arg5[%dma_start3A_239] : memref<13312xi32, #tpu.memory_space<vmem>> -> memref<512xi32, #tpu.memory_space<vmem>>
    %dma_start3A_241 = tpu.memref_slice %arg2[%add3A_92] : memref<425984xi32, #tpu.memory_space<hbm>> -> memref<512xi32, #tpu.memory_space<hbm>>
    tpu.enqueue_dma source(%dma_start3A_241 : memref<512xi32, #tpu.memory_space<hbm>>) target(%dma_start3A_240 : memref<512xi32, #tpu.memory_space<vmem>>) target_semaphore(%arg22 : memref<!tpu.dma_semaphore, #tpu.memory_space<semaphore_mem>>)
    %dma_start3A_242 = arith.constant 11776 : i32
    %dma_start3A_243 = tpu.memref_slice %arg5[%dma_start3A_242] : memref<13312xi32, #tpu.memory_space<vmem>> -> memref<512xi32, #tpu.memory_space<vmem>>
    %dma_start3A_244 = tpu.memref_slice %arg2[%add3A_96] : memref<425984xi32, #tpu.memory_space<hbm>> -> memref<512xi32, #tpu.memory_space<hbm>>
    %dma_start3A_245 = arith.constant 11776 : i32
    %dma_start3A_246 = tpu.memref_slice %arg5[%dma_start3A_245] : memref<13312xi32, #tpu.memory_space<vmem>> -> memref<512xi32, #tpu.memory_space<vmem>>
    %dma_start3A_247 = tpu.memref_slice %arg2[%add3A_96] : memref<425984xi32, #tpu.memory_space<hbm>> -> memref<512xi32, #tpu.memory_space<hbm>>
    tpu.enqueue_dma source(%dma_start3A_247 : memref<512xi32, #tpu.memory_space<hbm>>) target(%dma_start3A_246 : memref<512xi32, #tpu.memory_space<vmem>>) target_semaphore(%arg22 : memref<!tpu.dma_semaphore, #tpu.memory_space<semaphore_mem>>)
    %dma_start3A_248 = arith.constant 12288 : i32
    %dma_start3A_249 = tpu.memref_slice %arg5[%dma_start3A_248] : memref<13312xi32, #tpu.memory_space<vmem>> -> memref<512xi32, #tpu.memory_space<vmem>>
    %dma_start3A_250 = tpu.memref_slice %arg2[%add3A_100] : memref<425984xi32, #tpu.memory_space<hbm>> -> memref<512xi32, #tpu.memory_space<hbm>>
    %dma_start3A_251 = arith.constant 12288 : i32
    %dma_start3A_252 = tpu.memref_slice %arg5[%dma_start3A_251] : memref<13312xi32, #tpu.memory_space<vmem>> -> memref<512xi32, #tpu.memory_space<vmem>>
    %dma_start3A_253 = tpu.memref_slice %arg2[%add3A_100] : memref<425984xi32, #tpu.memory_space<hbm>> -> memref<512xi32, #tpu.memory_space<hbm>>
    tpu.enqueue_dma source(%dma_start3A_253 : memref<512xi32, #tpu.memory_space<hbm>>) target(%dma_start3A_252 : memref<512xi32, #tpu.memory_space<vmem>>) target_semaphore(%arg22 : memref<!tpu.dma_semaphore, #tpu.memory_space<semaphore_mem>>)
    %dma_start3A_254 = arith.constant 12800 : i32
    %dma_start3A_255 = tpu.memref_slice %arg5[%dma_start3A_254] : memref<13312xi32, #tpu.memory_space<vmem>> -> memref<512xi32, #tpu.memory_space<vmem>>
    %dma_start3A_256 = tpu.memref_slice %arg2[%add3A_104] : memref<425984xi32, #tpu.memory_space<hbm>> -> memref<512xi32, #tpu.memory_space<hbm>>
    %dma_start3A_257 = arith.constant 12800 : i32
    %dma_start3A_258 = tpu.memref_slice %arg5[%dma_start3A_257] : memref<13312xi32, #tpu.memory_space<vmem>> -> memref<512xi32, #tpu.memory_space<vmem>>
    %dma_start3A_259 = tpu.memref_slice %arg2[%add3A_104] : memref<425984xi32, #tpu.memory_space<hbm>> -> memref<512xi32, #tpu.memory_space<hbm>>
    tpu.enqueue_dma source(%dma_start3A_259 : memref<512xi32, #tpu.memory_space<hbm>>) target(%dma_start3A_258 : memref<512xi32, #tpu.memory_space<vmem>>) target_semaphore(%arg22 : memref<!tpu.dma_semaphore, #tpu.memory_space<semaphore_mem>>)
    %mul3A_260 = arith.constant 62496 : i32
    %mul3A_261 = arith.muli %arg1, %mul3A_260 : i32
    %add3A_262 = arith.constant 0 : i32
    %add3A_263 = arith.addi %mul3A_261, %add3A_262 : i32
    %mul3A_264 = arith.constant 62496 : i32
    %mul3A_265 = arith.muli %arg1, %mul3A_264 : i32
    %add3A_266 = arith.constant 5208 : i32
    %add3A_267 = arith.addi %mul3A_265, %add3A_266 : i32
    %mul3A_268 = arith.constant 62496 : i32
    %mul3A_269 = arith.muli %arg1, %mul3A_268 : i32
    %add3A_270 = arith.constant 10416 : i32
    %add3A_271 = arith.addi %mul3A_269, %add3A_270 : i32
    %mul3A_272 = arith.constant 62496 : i32
    %mul3A_273 = arith.muli %arg1, %mul3A_272 : i32
    %add3A_274 = arith.constant 15624 : i32
    %add3A_275 = arith.addi %mul3A_273, %add3A_274 : i32
    %mul3A_276 = arith.constant 62496 : i32
    %mul3A_277 = arith.muli %arg1, %mul3A_276 : i32
    %add3A_278 = arith.constant 20832 : i32
    %add3A_279 = arith.addi %mul3A_277, %add3A_278 : i32
    %mul3A_280 = arith.constant 62496 : i32
    %mul3A_281 = arith.muli %arg1, %mul3A_280 : i32
    %add3A_282 = arith.constant 26040 : i32
    %add3A_283 = arith.addi %mul3A_281, %add3A_282 : i32
    %mul3A_284 = arith.constant 62496 : i32
    %mul3A_285 = arith.muli %arg1, %mul3A_284 : i32
    %add3A_286 = arith.constant 31248 : i32
    %add3A_287 = arith.addi %mul3A_285, %add3A_286 : i32
    %mul3A_288 = arith.constant 62496 : i32
    %mul3A_289 = arith.muli %arg1, %mul3A_288 : i32
    %add3A_290 = arith.constant 36456 : i32
    %add3A_291 = arith.addi %mul3A_289, %add3A_290 : i32
    %mul3A_292 = arith.constant 62496 : i32
    %mul3A_293 = arith.muli %arg1, %mul3A_292 : i32
    %add3A_294 = arith.constant 41664 : i32
    %add3A_295 = arith.addi %mul3A_293, %add3A_294 : i32
    %mul3A_296 = arith.constant 62496 : i32
    %mul3A_297 = arith.muli %arg1, %mul3A_296 : i32
    %add3A_298 = arith.constant 46872 : i32
    %add3A_299 = arith.addi %mul3A_297, %add3A_298 : i32
    %mul3A_300 = arith.constant 62496 : i32
    %mul3A_301 = arith.muli %arg1, %mul3A_300 : i32
    %add3A_302 = arith.constant 52080 : i32
    %add3A_303 = arith.addi %mul3A_301, %add3A_302 : i32
    %mul3A_304 = arith.constant 62496 : i32
    %mul3A_305 = arith.muli %arg1, %mul3A_304 : i32
    %add3A_306 = arith.constant 57288 : i32
    %add3A_307 = arith.addi %mul3A_305, %add3A_306 : i32
    %mul3A_308 = arith.constant 62496 : i32
    %mul3A_309 = arith.muli %arg1, %mul3A_308 : i32
    %add3A_310 = arith.constant 0 : i32
    %add3A_311 = arith.addi %mul3A_309, %add3A_310 : i32
    %mul3A_312 = arith.constant 62496 : i32
    %mul3A_313 = arith.muli %arg1, %mul3A_312 : i32
    %add3A_314 = arith.constant 5208 : i32
    %add3A_315 = arith.addi %mul3A_313, %add3A_314 : i32
    %mul3A_316 = arith.constant 62496 : i32
    %mul3A_317 = arith.muli %arg1, %mul3A_316 : i32
    %add3A_318 = arith.constant 10416 : i32
    %add3A_319 = arith.addi %mul3A_317, %add3A_318 : i32
    %mul3A_320 = arith.constant 62496 : i32
    %mul3A_321 = arith.muli %arg1, %mul3A_320 : i32
    %add3A_322 = arith.constant 15624 : i32
    %add3A_323 = arith.addi %mul3A_321, %add3A_322 : i32
    %mul3A_324 = arith.constant 62496 : i32
    %mul3A_325 = arith.muli %arg1, %mul3A_324 : i32
    %add3A_326 = arith.constant 20832 : i32
    %add3A_327 = arith.addi %mul3A_325, %add3A_326 : i32
    %mul3A_328 = arith.constant 62496 : i32
    %mul3A_329 = arith.muli %arg1, %mul3A_328 : i32
    %add3A_330 = arith.constant 26040 : i32
    %add3A_331 = arith.addi %mul3A_329, %add3A_330 : i32
    %mul3A_332 = arith.constant 62496 : i32
    %mul3A_333 = arith.muli %arg1, %mul3A_332 : i32
    %add3A_334 = arith.constant 31248 : i32
    %add3A_335 = arith.addi %mul3A_333, %add3A_334 : i32
    %mul3A_336 = arith.constant 62496 : i32
    %mul3A_337 = arith.muli %arg1, %mul3A_336 : i32
    %add3A_338 = arith.constant 36456 : i32
    %add3A_339 = arith.addi %mul3A_337, %add3A_338 : i32
    %mul3A_340 = arith.constant 62496 : i32
    %mul3A_341 = arith.muli %arg1, %mul3A_340 : i32
    %add3A_342 = arith.constant 41664 : i32
    %add3A_343 = arith.addi %mul3A_341, %add3A_342 : i32
    %mul3A_344 = arith.constant 62496 : i32
    %mul3A_345 = arith.muli %arg1, %mul3A_344 : i32
    %add3A_346 = arith.constant 46872 : i32
    %add3A_347 = arith.addi %mul3A_345, %add3A_346 : i32
    %mul3A_348 = arith.constant 62496 : i32
    %mul3A_349 = arith.muli %arg1, %mul3A_348 : i32
    %add3A_350 = arith.constant 52080 : i32
    %add3A_351 = arith.addi %mul3A_349, %add3A_350 : i32
    %mul3A_352 = arith.constant 62496 : i32
    %mul3A_353 = arith.muli %arg1, %mul3A_352 : i32
    %add3A_354 = arith.constant 57288 : i32
    %add3A_355 = arith.addi %mul3A_353, %add3A_354 : i32
    %dma_start3A_356 = arith.constant 0 : i32
    %dma_start3A_357 = arith.constant 0 : i32
    %dma_start3A_358 = tpu.memref_slice %arg3[%dma_start3A_356, %dma_start3A_357] : memref<1x1000000xf32, #tpu.memory_space<hbm>> -> memref<1x1000000xf32, #tpu.memory_space<hbm>>
    %dma_start3A_359 = tpu.memref_squeeze %dma_start3A_358 : memref<1x1000000xf32, #tpu.memory_space<hbm>> -> memref<1000000xf32, #tpu.memory_space<hbm>>
    %dma_start3A_360 = tpu.memref_slice %dma_start3A_359[%add3A_263] : memref<1000000xf32, #tpu.memory_space<hbm>> -> memref<5208xf32, #tpu.memory_space<hbm>>
    %dma_start3A_361 = arith.constant 0 : i32
    %dma_start3A_362 = tpu.memref_slice %arg3[%dma_start3A_356, %dma_start3A_361] : memref<1x1000000xf32, #tpu.memory_space<hbm>> -> memref<1x1000000xf32, #tpu.memory_space<hbm>>
    %dma_start3A_363 = tpu.memref_squeeze %dma_start3A_362 : memref<1x1000000xf32, #tpu.memory_space<hbm>> -> memref<1000000xf32, #tpu.memory_space<hbm>>
    %dma_start3A_364 = tpu.memref_slice %dma_start3A_363[%add3A_263] : memref<1000000xf32, #tpu.memory_space<hbm>> -> memref<5208xf32, #tpu.memory_space<hbm>>
    tpu.enqueue_dma source(%dma_start3A_364 : memref<5208xf32, #tpu.memory_space<hbm>>) target(%arg8 : memref<5208xf32, #tpu.memory_space<vmem>>) target_semaphore(%arg14 : memref<!tpu.dma_semaphore, #tpu.memory_space<semaphore_mem>>)
    %dma_start3A_365 = arith.constant 0 : i32
    %dma_start3A_366 = arith.constant 0 : i32
    %dma_start3A_367 = tpu.memref_slice %arg3[%dma_start3A_365, %dma_start3A_366] : memref<1x1000000xf32, #tpu.memory_space<hbm>> -> memref<1x1000000xf32, #tpu.memory_space<hbm>>
    %dma_start3A_368 = tpu.memref_squeeze %dma_start3A_367 : memref<1x1000000xf32, #tpu.memory_space<hbm>> -> memref<1000000xf32, #tpu.memory_space<hbm>>
    %dma_start3A_369 = tpu.memref_slice %dma_start3A_368[%add3A_267] : memref<1000000xf32, #tpu.memory_space<hbm>> -> memref<5208xf32, #tpu.memory_space<hbm>>
    %dma_start3A_370 = arith.constant 0 : i32
    %dma_start3A_371 = tpu.memref_slice %arg3[%dma_start3A_365, %dma_start3A_370] : memref<1x1000000xf32, #tpu.memory_space<hbm>> -> memref<1x1000000xf32, #tpu.memory_space<hbm>>
    %dma_start3A_372 = tpu.memref_squeeze %dma_start3A_371 : memref<1x1000000xf32, #tpu.memory_space<hbm>> -> memref<1000000xf32, #tpu.memory_space<hbm>>
    %dma_start3A_373 = tpu.memref_slice %dma_start3A_372[%add3A_267] : memref<1000000xf32, #tpu.memory_space<hbm>> -> memref<5208xf32, #tpu.memory_space<hbm>>
    tpu.enqueue_dma source(%dma_start3A_373 : memref<5208xf32, #tpu.memory_space<hbm>>) target(%arg9 : memref<5208xf32, #tpu.memory_space<vmem>>) target_semaphore(%arg15 : memref<!tpu.dma_semaphore, #tpu.memory_space<semaphore_mem>>)
    %dma_start3A_374 = arith.constant 0 : i32
    %dma_start3A_375 = arith.constant 0 : i32
    %dma_start3A_376 = tpu.memref_slice %arg3[%dma_start3A_374, %dma_start3A_375] : memref<1x1000000xf32, #tpu.memory_space<hbm>> -> memref<1x1000000xf32, #tpu.memory_space<hbm>>
    %dma_start3A_377 = tpu.memref_squeeze %dma_start3A_376 : memref<1x1000000xf32, #tpu.memory_space<hbm>> -> memref<1000000xf32, #tpu.memory_space<hbm>>
    %dma_start3A_378 = tpu.memref_slice %dma_start3A_377[%add3A_271] : memref<1000000xf32, #tpu.memory_space<hbm>> -> memref<5208xf32, #tpu.memory_space<hbm>>
    %dma_start3A_379 = arith.constant 0 : i32
    %dma_start3A_380 = tpu.memref_slice %arg3[%dma_start3A_374, %dma_start3A_379] : memref<1x1000000xf32, #tpu.memory_space<hbm>> -> memref<1x1000000xf32, #tpu.memory_space<hbm>>
    %dma_start3A_381 = tpu.memref_squeeze %dma_start3A_380 : memref<1x1000000xf32, #tpu.memory_space<hbm>> -> memref<1000000xf32, #tpu.memory_space<hbm>>
    %dma_start3A_382 = tpu.memref_slice %dma_start3A_381[%add3A_271] : memref<1000000xf32, #tpu.memory_space<hbm>> -> memref<5208xf32, #tpu.memory_space<hbm>>
    tpu.enqueue_dma source(%dma_start3A_382 : memref<5208xf32, #tpu.memory_space<hbm>>) target(%arg10 : memref<5208xf32, #tpu.memory_space<vmem>>) target_semaphore(%arg16 : memref<!tpu.dma_semaphore, #tpu.memory_space<semaphore_mem>>)
    %dma_wait3A = arith.constant 0 : i32
    %dma_wait3A_383 = arith.constant 0 : i32
    %dma_wait3A_384 = tpu.memref_slice %arg3[%dma_wait3A, %dma_wait3A_383] : memref<1x1000000xf32, #tpu.memory_space<hbm>> -> memref<1x1000000xf32, #tpu.memory_space<hbm>>
    %dma_wait3A_385 = tpu.memref_squeeze %dma_wait3A_384 : memref<1x1000000xf32, #tpu.memory_space<hbm>> -> memref<1000000xf32, #tpu.memory_space<hbm>>
    %dma_wait3A_386 = tpu.memref_slice %dma_wait3A_385[%add3A_263] : memref<1000000xf32, #tpu.memory_space<hbm>> -> memref<5208xf32, #tpu.memory_space<hbm>>
    %dma_wait3A_387 = arith.constant 0 : i32
    %dma_wait3A_388 = tpu.memref_slice %arg3[%dma_wait3A, %dma_wait3A_387] : memref<1x1000000xf32, #tpu.memory_space<hbm>> -> memref<1x1000000xf32, #tpu.memory_space<hbm>>
    %dma_wait3A_389 = tpu.memref_squeeze %dma_wait3A_388 : memref<1x1000000xf32, #tpu.memory_space<hbm>> -> memref<1000000xf32, #tpu.memory_space<hbm>>
    %dma_wait3A_390 = tpu.memref_slice %dma_wait3A_389[%add3A_263] : memref<1000000xf32, #tpu.memory_space<hbm>> -> memref<5208xf32, #tpu.memory_space<hbm>>
    tpu.wait_dma2 semaphore(%arg14 : memref<!tpu.dma_semaphore, #tpu.memory_space<semaphore_mem>>) src(%dma_wait3A_390 : memref<5208xf32, #tpu.memory_space<hbm>>) dst(%arg8 : memref<5208xf32, #tpu.memory_space<vmem>>)
    %dma_start3A_391 = tpu.memref_slice %arg12[%add3A_311] : memref<1000000xf32, #tpu.memory_space<vmem_shared>> -> memref<5208xf32, #tpu.memory_space<vmem_shared>>
    %dma_start3A_392 = tpu.memref_slice %arg12[%add3A_311] : memref<1000000xf32, #tpu.memory_space<vmem_shared>> -> memref<5208xf32, #tpu.memory_space<vmem_shared>>
    tpu.enqueue_dma source(%arg8 : memref<5208xf32, #tpu.memory_space<vmem>>) target(%dma_start3A_392 : memref<5208xf32, #tpu.memory_space<vmem_shared>>) target_semaphore(%arg18 : memref<!tpu.dma_semaphore, #tpu.memory_space<semaphore_mem>>)
    %dma_start3A_393 = arith.constant 0 : i32
    %dma_start3A_394 = arith.constant 0 : i32
    %dma_start3A_395 = tpu.memref_slice %arg3[%dma_start3A_393, %dma_start3A_394] : memref<1x1000000xf32, #tpu.memory_space<hbm>> -> memref<1x1000000xf32, #tpu.memory_space<hbm>>
    %dma_start3A_396 = tpu.memref_squeeze %dma_start3A_395 : memref<1x1000000xf32, #tpu.memory_space<hbm>> -> memref<1000000xf32, #tpu.memory_space<hbm>>
    %dma_start3A_397 = tpu.memref_slice %dma_start3A_396[%add3A_275] : memref<1000000xf32, #tpu.memory_space<hbm>> -> memref<5208xf32, #tpu.memory_space<hbm>>
    %dma_start3A_398 = arith.constant 0 : i32
    %dma_start3A_399 = tpu.memref_slice %arg3[%dma_start3A_393, %dma_start3A_398] : memref<1x1000000xf32, #tpu.memory_space<hbm>> -> memref<1x1000000xf32, #tpu.memory_space<hbm>>
    %dma_start3A_400 = tpu.memref_squeeze %dma_start3A_399 : memref<1x1000000xf32, #tpu.memory_space<hbm>> -> memref<1000000xf32, #tpu.memory_space<hbm>>
    %dma_start3A_401 = tpu.memref_slice %dma_start3A_400[%add3A_275] : memref<1000000xf32, #tpu.memory_space<hbm>> -> memref<5208xf32, #tpu.memory_space<hbm>>
    tpu.enqueue_dma source(%dma_start3A_401 : memref<5208xf32, #tpu.memory_space<hbm>>) target(%arg11 : memref<5208xf32, #tpu.memory_space<vmem>>) target_semaphore(%arg17 : memref<!tpu.dma_semaphore, #tpu.memory_space<semaphore_mem>>)
    %dma_wait3A_402 = arith.constant 0 : i32
    %dma_wait3A_403 = arith.constant 0 : i32
    %dma_wait3A_404 = tpu.memref_slice %arg3[%dma_wait3A_402, %dma_wait3A_403] : memref<1x1000000xf32, #tpu.memory_space<hbm>> -> memref<1x1000000xf32, #tpu.memory_space<hbm>>
    %dma_wait3A_405 = tpu.memref_squeeze %dma_wait3A_404 : memref<1x1000000xf32, #tpu.memory_space<hbm>> -> memref<1000000xf32, #tpu.memory_space<hbm>>
    %dma_wait3A_406 = tpu.memref_slice %dma_wait3A_405[%add3A_267] : memref<1000000xf32, #tpu.memory_space<hbm>> -> memref<5208xf32, #tpu.memory_space<hbm>>
    %dma_wait3A_407 = arith.constant 0 : i32
    %dma_wait3A_408 = tpu.memref_slice %arg3[%dma_wait3A_402, %dma_wait3A_407] : memref<1x1000000xf32, #tpu.memory_space<hbm>> -> memref<1x1000000xf32, #tpu.memory_space<hbm>>
    %dma_wait3A_409 = tpu.memref_squeeze %dma_wait3A_408 : memref<1x1000000xf32, #tpu.memory_space<hbm>> -> memref<1000000xf32, #tpu.memory_space<hbm>>
    %dma_wait3A_410 = tpu.memref_slice %dma_wait3A_409[%add3A_267] : memref<1000000xf32, #tpu.memory_space<hbm>> -> memref<5208xf32, #tpu.memory_space<hbm>>
    tpu.wait_dma2 semaphore(%arg15 : memref<!tpu.dma_semaphore, #tpu.memory_space<semaphore_mem>>) src(%dma_wait3A_410 : memref<5208xf32, #tpu.memory_space<hbm>>) dst(%arg9 : memref<5208xf32, #tpu.memory_space<vmem>>)
    %dma_start3A_411 = tpu.memref_slice %arg12[%add3A_315] : memref<1000000xf32, #tpu.memory_space<vmem_shared>> -> memref<5208xf32, #tpu.memory_space<vmem_shared>>
    %dma_start3A_412 = tpu.memref_slice %arg12[%add3A_315] : memref<1000000xf32, #tpu.memory_space<vmem_shared>> -> memref<5208xf32, #tpu.memory_space<vmem_shared>>
    tpu.enqueue_dma source(%arg9 : memref<5208xf32, #tpu.memory_space<vmem>>) target(%dma_start3A_412 : memref<5208xf32, #tpu.memory_space<vmem_shared>>) target_semaphore(%arg19 : memref<!tpu.dma_semaphore, #tpu.memory_space<semaphore_mem>>)
    %dma_wait3A_413 = tpu.memref_slice %arg12[%add3A_311] : memref<1000000xf32, #tpu.memory_space<vmem_shared>> -> memref<5208xf32, #tpu.memory_space<vmem_shared>>
    %dma_wait3A_414 = tpu.memref_slice %arg12[%add3A_311] : memref<1000000xf32, #tpu.memory_space<vmem_shared>> -> memref<5208xf32, #tpu.memory_space<vmem_shared>>
    tpu.wait_dma2 semaphore(%arg18 : memref<!tpu.dma_semaphore, #tpu.memory_space<semaphore_mem>>) src(%arg8 : memref<5208xf32, #tpu.memory_space<vmem>>) dst(%dma_wait3A_414 : memref<5208xf32, #tpu.memory_space<vmem_shared>>)
    %dma_start3A_415 = arith.constant 0 : i32
    %dma_start3A_416 = arith.constant 0 : i32
    %dma_start3A_417 = tpu.memref_slice %arg3[%dma_start3A_415, %dma_start3A_416] : memref<1x1000000xf32, #tpu.memory_space<hbm>> -> memref<1x1000000xf32, #tpu.memory_space<hbm>>
    %dma_start3A_418 = tpu.memref_squeeze %dma_start3A_417 : memref<1x1000000xf32, #tpu.memory_space<hbm>> -> memref<1000000xf32, #tpu.memory_space<hbm>>
    %dma_start3A_419 = tpu.memref_slice %dma_start3A_418[%add3A_279] : memref<1000000xf32, #tpu.memory_space<hbm>> -> memref<5208xf32, #tpu.memory_space<hbm>>
    %dma_start3A_420 = arith.constant 0 : i32
    %dma_start3A_421 = tpu.memref_slice %arg3[%dma_start3A_415, %dma_start3A_420] : memref<1x1000000xf32, #tpu.memory_space<hbm>> -> memref<1x1000000xf32, #tpu.memory_space<hbm>>
    %dma_start3A_422 = tpu.memref_squeeze %dma_start3A_421 : memref<1x1000000xf32, #tpu.memory_space<hbm>> -> memref<1000000xf32, #tpu.memory_space<hbm>>
    %dma_start3A_423 = tpu.memref_slice %dma_start3A_422[%add3A_279] : memref<1000000xf32, #tpu.memory_space<hbm>> -> memref<5208xf32, #tpu.memory_space<hbm>>
    tpu.enqueue_dma source(%dma_start3A_423 : memref<5208xf32, #tpu.memory_space<hbm>>) target(%arg8 : memref<5208xf32, #tpu.memory_space<vmem>>) target_semaphore(%arg14 : memref<!tpu.dma_semaphore, #tpu.memory_space<semaphore_mem>>)
    %dma_wait3A_424 = arith.constant 0 : i32
    %dma_wait3A_425 = arith.constant 0 : i32
    %dma_wait3A_426 = tpu.memref_slice %arg3[%dma_wait3A_424, %dma_wait3A_425] : memref<1x1000000xf32, #tpu.memory_space<hbm>> -> memref<1x1000000xf32, #tpu.memory_space<hbm>>
    %dma_wait3A_427 = tpu.memref_squeeze %dma_wait3A_426 : memref<1x1000000xf32, #tpu.memory_space<hbm>> -> memref<1000000xf32, #tpu.memory_space<hbm>>
    %dma_wait3A_428 = tpu.memref_slice %dma_wait3A_427[%add3A_271] : memref<1000000xf32, #tpu.memory_space<hbm>> -> memref<5208xf32, #tpu.memory_space<hbm>>
    %dma_wait3A_429 = arith.constant 0 : i32
    %dma_wait3A_430 = tpu.memref_slice %arg3[%dma_wait3A_424, %dma_wait3A_429] : memref<1x1000000xf32, #tpu.memory_space<hbm>> -> memref<1x1000000xf32, #tpu.memory_space<hbm>>
    %dma_wait3A_431 = tpu.memref_squeeze %dma_wait3A_430 : memref<1x1000000xf32, #tpu.memory_space<hbm>> -> memref<1000000xf32, #tpu.memory_space<hbm>>
    %dma_wait3A_432 = tpu.memref_slice %dma_wait3A_431[%add3A_271] : memref<1000000xf32, #tpu.memory_space<hbm>> -> memref<5208xf32, #tpu.memory_space<hbm>>
    tpu.wait_dma2 semaphore(%arg16 : memref<!tpu.dma_semaphore, #tpu.memory_space<semaphore_mem>>) src(%dma_wait3A_432 : memref<5208xf32, #tpu.memory_space<hbm>>) dst(%arg10 : memref<5208xf32, #tpu.memory_space<vmem>>)
    %dma_start3A_433 = tpu.memref_slice %arg12[%add3A_319] : memref<1000000xf32, #tpu.memory_space<vmem_shared>> -> memref<5208xf32, #tpu.memory_space<vmem_shared>>
    %dma_start3A_434 = tpu.memref_slice %arg12[%add3A_319] : memref<1000000xf32, #tpu.memory_space<vmem_shared>> -> memref<5208xf32, #tpu.memory_space<vmem_shared>>
    tpu.enqueue_dma source(%arg10 : memref<5208xf32, #tpu.memory_space<vmem>>) target(%dma_start3A_434 : memref<5208xf32, #tpu.memory_space<vmem_shared>>) target_semaphore(%arg20 : memref<!tpu.dma_semaphore, #tpu.memory_space<semaphore_mem>>)
    %dma_wait3A_435 = tpu.memref_slice %arg12[%add3A_315] : memref<1000000xf32, #tpu.memory_space<vmem_shared>> -> memref<5208xf32, #tpu.memory_space<vmem_shared>>
    %dma_wait3A_436 = tpu.memref_slice %arg12[%add3A_315] : memref<1000000xf32, #tpu.memory_space<vmem_shared>> -> memref<5208xf32, #tpu.memory_space<vmem_shared>>
    tpu.wait_dma2 semaphore(%arg19 : memref<!tpu.dma_semaphore, #tpu.memory_space<semaphore_mem>>) src(%arg9 : memref<5208xf32, #tpu.memory_space<vmem>>) dst(%dma_wait3A_436 : memref<5208xf32, #tpu.memory_space<vmem_shared>>)
    %dma_start3A_437 = arith.constant 0 : i32
    %dma_start3A_438 = arith.constant 0 : i32
    %dma_start3A_439 = tpu.memref_slice %arg3[%dma_start3A_437, %dma_start3A_438] : memref<1x1000000xf32, #tpu.memory_space<hbm>> -> memref<1x1000000xf32, #tpu.memory_space<hbm>>
    %dma_start3A_440 = tpu.memref_squeeze %dma_start3A_439 : memref<1x1000000xf32, #tpu.memory_space<hbm>> -> memref<1000000xf32, #tpu.memory_space<hbm>>
    %dma_start3A_441 = tpu.memref_slice %dma_start3A_440[%add3A_283] : memref<1000000xf32, #tpu.memory_space<hbm>> -> memref<5208xf32, #tpu.memory_space<hbm>>
    %dma_start3A_442 = arith.constant 0 : i32
    %dma_start3A_443 = tpu.memref_slice %arg3[%dma_start3A_437, %dma_start3A_442] : memref<1x1000000xf32, #tpu.memory_space<hbm>> -> memref<1x1000000xf32, #tpu.memory_space<hbm>>
    %dma_start3A_444 = tpu.memref_squeeze %dma_start3A_443 : memref<1x1000000xf32, #tpu.memory_space<hbm>> -> memref<1000000xf32, #tpu.memory_space<hbm>>
    %dma_start3A_445 = tpu.memref_slice %dma_start3A_444[%add3A_283] : memref<1000000xf32, #tpu.memory_space<hbm>> -> memref<5208xf32, #tpu.memory_space<hbm>>
    tpu.enqueue_dma source(%dma_start3A_445 : memref<5208xf32, #tpu.memory_space<hbm>>) target(%arg9 : memref<5208xf32, #tpu.memory_space<vmem>>) target_semaphore(%arg15 : memref<!tpu.dma_semaphore, #tpu.memory_space<semaphore_mem>>)
    %dma_wait3A_446 = arith.constant 0 : i32
    %dma_wait3A_447 = arith.constant 0 : i32
    %dma_wait3A_448 = tpu.memref_slice %arg3[%dma_wait3A_446, %dma_wait3A_447] : memref<1x1000000xf32, #tpu.memory_space<hbm>> -> memref<1x1000000xf32, #tpu.memory_space<hbm>>
    %dma_wait3A_449 = tpu.memref_squeeze %dma_wait3A_448 : memref<1x1000000xf32, #tpu.memory_space<hbm>> -> memref<1000000xf32, #tpu.memory_space<hbm>>
    %dma_wait3A_450 = tpu.memref_slice %dma_wait3A_449[%add3A_275] : memref<1000000xf32, #tpu.memory_space<hbm>> -> memref<5208xf32, #tpu.memory_space<hbm>>
    %dma_wait3A_451 = arith.constant 0 : i32
    %dma_wait3A_452 = tpu.memref_slice %arg3[%dma_wait3A_446, %dma_wait3A_451] : memref<1x1000000xf32, #tpu.memory_space<hbm>> -> memref<1x1000000xf32, #tpu.memory_space<hbm>>
    %dma_wait3A_453 = tpu.memref_squeeze %dma_wait3A_452 : memref<1x1000000xf32, #tpu.memory_space<hbm>> -> memref<1000000xf32, #tpu.memory_space<hbm>>
    %dma_wait3A_454 = tpu.memref_slice %dma_wait3A_453[%add3A_275] : memref<1000000xf32, #tpu.memory_space<hbm>> -> memref<5208xf32, #tpu.memory_space<hbm>>
    tpu.wait_dma2 semaphore(%arg17 : memref<!tpu.dma_semaphore, #tpu.memory_space<semaphore_mem>>) src(%dma_wait3A_454 : memref<5208xf32, #tpu.memory_space<hbm>>) dst(%arg11 : memref<5208xf32, #tpu.memory_space<vmem>>)
    %dma_start3A_455 = tpu.memref_slice %arg12[%add3A_323] : memref<1000000xf32, #tpu.memory_space<vmem_shared>> -> memref<5208xf32, #tpu.memory_space<vmem_shared>>
    %dma_start3A_456 = tpu.memref_slice %arg12[%add3A_323] : memref<1000000xf32, #tpu.memory_space<vmem_shared>> -> memref<5208xf32, #tpu.memory_space<vmem_shared>>
    tpu.enqueue_dma source(%arg11 : memref<5208xf32, #tpu.memory_space<vmem>>) target(%dma_start3A_456 : memref<5208xf32, #tpu.memory_space<vmem_shared>>) target_semaphore(%arg21 : memref<!tpu.dma_semaphore, #tpu.memory_space<semaphore_mem>>)
    %dma_wait3A_457 = tpu.memref_slice %arg12[%add3A_319] : memref<1000000xf32, #tpu.memory_space<vmem_shared>> -> memref<5208xf32, #tpu.memory_space<vmem_shared>>
    %dma_wait3A_458 = tpu.memref_slice %arg12[%add3A_319] : memref<1000000xf32, #tpu.memory_space<vmem_shared>> -> memref<5208xf32, #tpu.memory_space<vmem_shared>>
    tpu.wait_dma2 semaphore(%arg20 : memref<!tpu.dma_semaphore, #tpu.memory_space<semaphore_mem>>) src(%arg10 : memref<5208xf32, #tpu.memory_space<vmem>>) dst(%dma_wait3A_458 : memref<5208xf32, #tpu.memory_space<vmem_shared>>)
    %dma_start3A_459 = arith.constant 0 : i32
    %dma_start3A_460 = arith.constant 0 : i32
    %dma_start3A_461 = tpu.memref_slice %arg3[%dma_start3A_459, %dma_start3A_460] : memref<1x1000000xf32, #tpu.memory_space<hbm>> -> memref<1x1000000xf32, #tpu.memory_space<hbm>>
    %dma_start3A_462 = tpu.memref_squeeze %dma_start3A_461 : memref<1x1000000xf32, #tpu.memory_space<hbm>> -> memref<1000000xf32, #tpu.memory_space<hbm>>
    %dma_start3A_463 = tpu.memref_slice %dma_start3A_462[%add3A_287] : memref<1000000xf32, #tpu.memory_space<hbm>> -> memref<5208xf32, #tpu.memory_space<hbm>>
    %dma_start3A_464 = arith.constant 0 : i32
    %dma_start3A_465 = tpu.memref_slice %arg3[%dma_start3A_459, %dma_start3A_464] : memref<1x1000000xf32, #tpu.memory_space<hbm>> -> memref<1x1000000xf32, #tpu.memory_space<hbm>>
    %dma_start3A_466 = tpu.memref_squeeze %dma_start3A_465 : memref<1x1000000xf32, #tpu.memory_space<hbm>> -> memref<1000000xf32, #tpu.memory_space<hbm>>
    %dma_start3A_467 = tpu.memref_slice %dma_start3A_466[%add3A_287] : memref<1000000xf32, #tpu.memory_space<hbm>> -> memref<5208xf32, #tpu.memory_space<hbm>>
    tpu.enqueue_dma source(%dma_start3A_467 : memref<5208xf32, #tpu.memory_space<hbm>>) target(%arg10 : memref<5208xf32, #tpu.memory_space<vmem>>) target_semaphore(%arg16 : memref<!tpu.dma_semaphore, #tpu.memory_space<semaphore_mem>>)
    %dma_wait3A_468 = arith.constant 0 : i32
    %dma_wait3A_469 = arith.constant 0 : i32
    %dma_wait3A_470 = tpu.memref_slice %arg3[%dma_wait3A_468, %dma_wait3A_469] : memref<1x1000000xf32, #tpu.memory_space<hbm>> -> memref<1x1000000xf32, #tpu.memory_space<hbm>>
    %dma_wait3A_471 = tpu.memref_squeeze %dma_wait3A_470 : memref<1x1000000xf32, #tpu.memory_space<hbm>> -> memref<1000000xf32, #tpu.memory_space<hbm>>
    %dma_wait3A_472 = tpu.memref_slice %dma_wait3A_471[%add3A_279] : memref<1000000xf32, #tpu.memory_space<hbm>> -> memref<5208xf32, #tpu.memory_space<hbm>>
    %dma_wait3A_473 = arith.constant 0 : i32
    %dma_wait3A_474 = tpu.memref_slice %arg3[%dma_wait3A_468, %dma_wait3A_473] : memref<1x1000000xf32, #tpu.memory_space<hbm>> -> memref<1x1000000xf32, #tpu.memory_space<hbm>>
    %dma_wait3A_475 = tpu.memref_squeeze %dma_wait3A_474 : memref<1x1000000xf32, #tpu.memory_space<hbm>> -> memref<1000000xf32, #tpu.memory_space<hbm>>
    %dma_wait3A_476 = tpu.memref_slice %dma_wait3A_475[%add3A_279] : memref<1000000xf32, #tpu.memory_space<hbm>> -> memref<5208xf32, #tpu.memory_space<hbm>>
    tpu.wait_dma2 semaphore(%arg14 : memref<!tpu.dma_semaphore, #tpu.memory_space<semaphore_mem>>) src(%dma_wait3A_476 : memref<5208xf32, #tpu.memory_space<hbm>>) dst(%arg8 : memref<5208xf32, #tpu.memory_space<vmem>>)
    %dma_start3A_477 = tpu.memref_slice %arg12[%add3A_327] : memref<1000000xf32, #tpu.memory_space<vmem_shared>> -> memref<5208xf32, #tpu.memory_space<vmem_shared>>
    %dma_start3A_478 = tpu.memref_slice %arg12[%add3A_327] : memref<1000000xf32, #tpu.memory_space<vmem_shared>> -> memref<5208xf32, #tpu.memory_space<vmem_shared>>
    tpu.enqueue_dma source(%arg8 : memref<5208xf32, #tpu.memory_space<vmem>>) target(%dma_start3A_478 : memref<5208xf32, #tpu.memory_space<vmem_shared>>) target_semaphore(%arg18 : memref<!tpu.dma_semaphore, #tpu.memory_space<semaphore_mem>>)
    %dma_wait3A_479 = tpu.memref_slice %arg12[%add3A_323] : memref<1000000xf32, #tpu.memory_space<vmem_shared>> -> memref<5208xf32, #tpu.memory_space<vmem_shared>>
    %dma_wait3A_480 = tpu.memref_slice %arg12[%add3A_323] : memref<1000000xf32, #tpu.memory_space<vmem_shared>> -> memref<5208xf32, #tpu.memory_space<vmem_shared>>
    tpu.wait_dma2 semaphore(%arg21 : memref<!tpu.dma_semaphore, #tpu.memory_space<semaphore_mem>>) src(%arg11 : memref<5208xf32, #tpu.memory_space<vmem>>) dst(%dma_wait3A_480 : memref<5208xf32, #tpu.memory_space<vmem_shared>>)
    %dma_start3A_481 = arith.constant 0 : i32
    %dma_start3A_482 = arith.constant 0 : i32
    %dma_start3A_483 = tpu.memref_slice %arg3[%dma_start3A_481, %dma_start3A_482] : memref<1x1000000xf32, #tpu.memory_space<hbm>> -> memref<1x1000000xf32, #tpu.memory_space<hbm>>
    %dma_start3A_484 = tpu.memref_squeeze %dma_start3A_483 : memref<1x1000000xf32, #tpu.memory_space<hbm>> -> memref<1000000xf32, #tpu.memory_space<hbm>>
    %dma_start3A_485 = tpu.memref_slice %dma_start3A_484[%add3A_291] : memref<1000000xf32, #tpu.memory_space<hbm>> -> memref<5208xf32, #tpu.memory_space<hbm>>
    %dma_start3A_486 = arith.constant 0 : i32
    %dma_start3A_487 = tpu.memref_slice %arg3[%dma_start3A_481, %dma_start3A_486] : memref<1x1000000xf32, #tpu.memory_space<hbm>> -> memref<1x1000000xf32, #tpu.memory_space<hbm>>
    %dma_start3A_488 = tpu.memref_squeeze %dma_start3A_487 : memref<1x1000000xf32, #tpu.memory_space<hbm>> -> memref<1000000xf32, #tpu.memory_space<hbm>>
    %dma_start3A_489 = tpu.memref_slice %dma_start3A_488[%add3A_291] : memref<1000000xf32, #tpu.memory_space<hbm>> -> memref<5208xf32, #tpu.memory_space<hbm>>
    tpu.enqueue_dma source(%dma_start3A_489 : memref<5208xf32, #tpu.memory_space<hbm>>) target(%arg11 : memref<5208xf32, #tpu.memory_space<vmem>>) target_semaphore(%arg17 : memref<!tpu.dma_semaphore, #tpu.memory_space<semaphore_mem>>)
    %dma_wait3A_490 = arith.constant 0 : i32
    %dma_wait3A_491 = arith.constant 0 : i32
    %dma_wait3A_492 = tpu.memref_slice %arg3[%dma_wait3A_490, %dma_wait3A_491] : memref<1x1000000xf32, #tpu.memory_space<hbm>> -> memref<1x1000000xf32, #tpu.memory_space<hbm>>
    %dma_wait3A_493 = tpu.memref_squeeze %dma_wait3A_492 : memref<1x1000000xf32, #tpu.memory_space<hbm>> -> memref<1000000xf32, #tpu.memory_space<hbm>>
    %dma_wait3A_494 = tpu.memref_slice %dma_wait3A_493[%add3A_283] : memref<1000000xf32, #tpu.memory_space<hbm>> -> memref<5208xf32, #tpu.memory_space<hbm>>
    %dma_wait3A_495 = arith.constant 0 : i32
    %dma_wait3A_496 = tpu.memref_slice %arg3[%dma_wait3A_490, %dma_wait3A_495] : memref<1x1000000xf32, #tpu.memory_space<hbm>> -> memref<1x1000000xf32, #tpu.memory_space<hbm>>
    %dma_wait3A_497 = tpu.memref_squeeze %dma_wait3A_496 : memref<1x1000000xf32, #tpu.memory_space<hbm>> -> memref<1000000xf32, #tpu.memory_space<hbm>>
    %dma_wait3A_498 = tpu.memref_slice %dma_wait3A_497[%add3A_283] : memref<1000000xf32, #tpu.memory_space<hbm>> -> memref<5208xf32, #tpu.memory_space<hbm>>
    tpu.wait_dma2 semaphore(%arg15 : memref<!tpu.dma_semaphore, #tpu.memory_space<semaphore_mem>>) src(%dma_wait3A_498 : memref<5208xf32, #tpu.memory_space<hbm>>) dst(%arg9 : memref<5208xf32, #tpu.memory_space<vmem>>)
    %dma_start3A_499 = tpu.memref_slice %arg12[%add3A_331] : memref<1000000xf32, #tpu.memory_space<vmem_shared>> -> memref<5208xf32, #tpu.memory_space<vmem_shared>>
    %dma_start3A_500 = tpu.memref_slice %arg12[%add3A_331] : memref<1000000xf32, #tpu.memory_space<vmem_shared>> -> memref<5208xf32, #tpu.memory_space<vmem_shared>>
    tpu.enqueue_dma source(%arg9 : memref<5208xf32, #tpu.memory_space<vmem>>) target(%dma_start3A_500 : memref<5208xf32, #tpu.memory_space<vmem_shared>>) target_semaphore(%arg19 : memref<!tpu.dma_semaphore, #tpu.memory_space<semaphore_mem>>)
    %dma_wait3A_501 = tpu.memref_slice %arg12[%add3A_327] : memref<1000000xf32, #tpu.memory_space<vmem_shared>> -> memref<5208xf32, #tpu.memory_space<vmem_shared>>
    %dma_wait3A_502 = tpu.memref_slice %arg12[%add3A_327] : memref<1000000xf32, #tpu.memory_space<vmem_shared>> -> memref<5208xf32, #tpu.memory_space<vmem_shared>>
    tpu.wait_dma2 semaphore(%arg18 : memref<!tpu.dma_semaphore, #tpu.memory_space<semaphore_mem>>) src(%arg8 : memref<5208xf32, #tpu.memory_space<vmem>>) dst(%dma_wait3A_502 : memref<5208xf32, #tpu.memory_space<vmem_shared>>)
    %dma_start3A_503 = arith.constant 0 : i32
    %dma_start3A_504 = arith.constant 0 : i32
    %dma_start3A_505 = tpu.memref_slice %arg3[%dma_start3A_503, %dma_start3A_504] : memref<1x1000000xf32, #tpu.memory_space<hbm>> -> memref<1x1000000xf32, #tpu.memory_space<hbm>>
    %dma_start3A_506 = tpu.memref_squeeze %dma_start3A_505 : memref<1x1000000xf32, #tpu.memory_space<hbm>> -> memref<1000000xf32, #tpu.memory_space<hbm>>
    %dma_start3A_507 = tpu.memref_slice %dma_start3A_506[%add3A_295] : memref<1000000xf32, #tpu.memory_space<hbm>> -> memref<5208xf32, #tpu.memory_space<hbm>>
    %dma_start3A_508 = arith.constant 0 : i32
    %dma_start3A_509 = tpu.memref_slice %arg3[%dma_start3A_503, %dma_start3A_508] : memref<1x1000000xf32, #tpu.memory_space<hbm>> -> memref<1x1000000xf32, #tpu.memory_space<hbm>>
    %dma_start3A_510 = tpu.memref_squeeze %dma_start3A_509 : memref<1x1000000xf32, #tpu.memory_space<hbm>> -> memref<1000000xf32, #tpu.memory_space<hbm>>
    %dma_start3A_511 = tpu.memref_slice %dma_start3A_510[%add3A_295] : memref<1000000xf32, #tpu.memory_space<hbm>> -> memref<5208xf32, #tpu.memory_space<hbm>>
    tpu.enqueue_dma source(%dma_start3A_511 : memref<5208xf32, #tpu.memory_space<hbm>>) target(%arg8 : memref<5208xf32, #tpu.memory_space<vmem>>) target_semaphore(%arg14 : memref<!tpu.dma_semaphore, #tpu.memory_space<semaphore_mem>>)
    %dma_wait3A_512 = arith.constant 0 : i32
    %dma_wait3A_513 = arith.constant 0 : i32
    %dma_wait3A_514 = tpu.memref_slice %arg3[%dma_wait3A_512, %dma_wait3A_513] : memref<1x1000000xf32, #tpu.memory_space<hbm>> -> memref<1x1000000xf32, #tpu.memory_space<hbm>>
    %dma_wait3A_515 = tpu.memref_squeeze %dma_wait3A_514 : memref<1x1000000xf32, #tpu.memory_space<hbm>> -> memref<1000000xf32, #tpu.memory_space<hbm>>
    %dma_wait3A_516 = tpu.memref_slice %dma_wait3A_515[%add3A_287] : memref<1000000xf32, #tpu.memory_space<hbm>> -> memref<5208xf32, #tpu.memory_space<hbm>>
    %dma_wait3A_517 = arith.constant 0 : i32
    %dma_wait3A_518 = tpu.memref_slice %arg3[%dma_wait3A_512, %dma_wait3A_517] : memref<1x1000000xf32, #tpu.memory_space<hbm>> -> memref<1x1000000xf32, #tpu.memory_space<hbm>>
    %dma_wait3A_519 = tpu.memref_squeeze %dma_wait3A_518 : memref<1x1000000xf32, #tpu.memory_space<hbm>> -> memref<1000000xf32, #tpu.memory_space<hbm>>
    %dma_wait3A_520 = tpu.memref_slice %dma_wait3A_519[%add3A_287] : memref<1000000xf32, #tpu.memory_space<hbm>> -> memref<5208xf32, #tpu.memory_space<hbm>>
    tpu.wait_dma2 semaphore(%arg16 : memref<!tpu.dma_semaphore, #tpu.memory_space<semaphore_mem>>) src(%dma_wait3A_520 : memref<5208xf32, #tpu.memory_space<hbm>>) dst(%arg10 : memref<5208xf32, #tpu.memory_space<vmem>>)
    %dma_start3A_521 = tpu.memref_slice %arg12[%add3A_335] : memref<1000000xf32, #tpu.memory_space<vmem_shared>> -> memref<5208xf32, #tpu.memory_space<vmem_shared>>
    %dma_start3A_522 = tpu.memref_slice %arg12[%add3A_335] : memref<1000000xf32, #tpu.memory_space<vmem_shared>> -> memref<5208xf32, #tpu.memory_space<vmem_shared>>
    tpu.enqueue_dma source(%arg10 : memref<5208xf32, #tpu.memory_space<vmem>>) target(%dma_start3A_522 : memref<5208xf32, #tpu.memory_space<vmem_shared>>) target_semaphore(%arg20 : memref<!tpu.dma_semaphore, #tpu.memory_space<semaphore_mem>>)
    %dma_wait3A_523 = tpu.memref_slice %arg12[%add3A_331] : memref<1000000xf32, #tpu.memory_space<vmem_shared>> -> memref<5208xf32, #tpu.memory_space<vmem_shared>>
    %dma_wait3A_524 = tpu.memref_slice %arg12[%add3A_331] : memref<1000000xf32, #tpu.memory_space<vmem_shared>> -> memref<5208xf32, #tpu.memory_space<vmem_shared>>
    tpu.wait_dma2 semaphore(%arg19 : memref<!tpu.dma_semaphore, #tpu.memory_space<semaphore_mem>>) src(%arg9 : memref<5208xf32, #tpu.memory_space<vmem>>) dst(%dma_wait3A_524 : memref<5208xf32, #tpu.memory_space<vmem_shared>>)
    %dma_start3A_525 = arith.constant 0 : i32
    %dma_start3A_526 = arith.constant 0 : i32
    %dma_start3A_527 = tpu.memref_slice %arg3[%dma_start3A_525, %dma_start3A_526] : memref<1x1000000xf32, #tpu.memory_space<hbm>> -> memref<1x1000000xf32, #tpu.memory_space<hbm>>
    %dma_start3A_528 = tpu.memref_squeeze %dma_start3A_527 : memref<1x1000000xf32, #tpu.memory_space<hbm>> -> memref<1000000xf32, #tpu.memory_space<hbm>>
    %dma_start3A_529 = tpu.memref_slice %dma_start3A_528[%add3A_299] : memref<1000000xf32, #tpu.memory_space<hbm>> -> memref<5208xf32, #tpu.memory_space<hbm>>
    %dma_start3A_530 = arith.constant 0 : i32
    %dma_start3A_531 = tpu.memref_slice %arg3[%dma_start3A_525, %dma_start3A_530] : memref<1x1000000xf32, #tpu.memory_space<hbm>> -> memref<1x1000000xf32, #tpu.memory_space<hbm>>
    %dma_start3A_532 = tpu.memref_squeeze %dma_start3A_531 : memref<1x1000000xf32, #tpu.memory_space<hbm>> -> memref<1000000xf32, #tpu.memory_space<hbm>>
    %dma_start3A_533 = tpu.memref_slice %dma_start3A_532[%add3A_299] : memref<1000000xf32, #tpu.memory_space<hbm>> -> memref<5208xf32, #tpu.memory_space<hbm>>
    tpu.enqueue_dma source(%dma_start3A_533 : memref<5208xf32, #tpu.memory_space<hbm>>) target(%arg9 : memref<5208xf32, #tpu.memory_space<vmem>>) target_semaphore(%arg15 : memref<!tpu.dma_semaphore, #tpu.memory_space<semaphore_mem>>)
    %dma_wait3A_534 = arith.constant 0 : i32
    %dma_wait3A_535 = arith.constant 0 : i32
    %dma_wait3A_536 = tpu.memref_slice %arg3[%dma_wait3A_534, %dma_wait3A_535] : memref<1x1000000xf32, #tpu.memory_space<hbm>> -> memref<1x1000000xf32, #tpu.memory_space<hbm>>
    %dma_wait3A_537 = tpu.memref_squeeze %dma_wait3A_536 : memref<1x1000000xf32, #tpu.memory_space<hbm>> -> memref<1000000xf32, #tpu.memory_space<hbm>>
    %dma_wait3A_538 = tpu.memref_slice %dma_wait3A_537[%add3A_291] : memref<1000000xf32, #tpu.memory_space<hbm>> -> memref<5208xf32, #tpu.memory_space<hbm>>
    %dma_wait3A_539 = arith.constant 0 : i32
    %dma_wait3A_540 = tpu.memref_slice %arg3[%dma_wait3A_534, %dma_wait3A_539] : memref<1x1000000xf32, #tpu.memory_space<hbm>> -> memref<1x1000000xf32, #tpu.memory_space<hbm>>
    %dma_wait3A_541 = tpu.memref_squeeze %dma_wait3A_540 : memref<1x1000000xf32, #tpu.memory_space<hbm>> -> memref<1000000xf32, #tpu.memory_space<hbm>>
    %dma_wait3A_542 = tpu.memref_slice %dma_wait3A_541[%add3A_291] : memref<1000000xf32, #tpu.memory_space<hbm>> -> memref<5208xf32, #tpu.memory_space<hbm>>
    tpu.wait_dma2 semaphore(%arg17 : memref<!tpu.dma_semaphore, #tpu.memory_space<semaphore_mem>>) src(%dma_wait3A_542 : memref<5208xf32, #tpu.memory_space<hbm>>) dst(%arg11 : memref<5208xf32, #tpu.memory_space<vmem>>)
    %dma_start3A_543 = tpu.memref_slice %arg12[%add3A_339] : memref<1000000xf32, #tpu.memory_space<vmem_shared>> -> memref<5208xf32, #tpu.memory_space<vmem_shared>>
    %dma_start3A_544 = tpu.memref_slice %arg12[%add3A_339] : memref<1000000xf32, #tpu.memory_space<vmem_shared>> -> memref<5208xf32, #tpu.memory_space<vmem_shared>>
    tpu.enqueue_dma source(%arg11 : memref<5208xf32, #tpu.memory_space<vmem>>) target(%dma_start3A_544 : memref<5208xf32, #tpu.memory_space<vmem_shared>>) target_semaphore(%arg21 : memref<!tpu.dma_semaphore, #tpu.memory_space<semaphore_mem>>)
    %dma_wait3A_545 = tpu.memref_slice %arg12[%add3A_335] : memref<1000000xf32, #tpu.memory_space<vmem_shared>> -> memref<5208xf32, #tpu.memory_space<vmem_shared>>
    %dma_wait3A_546 = tpu.memref_slice %arg12[%add3A_335] : memref<1000000xf32, #tpu.memory_space<vmem_shared>> -> memref<5208xf32, #tpu.memory_space<vmem_shared>>
    tpu.wait_dma2 semaphore(%arg20 : memref<!tpu.dma_semaphore, #tpu.memory_space<semaphore_mem>>) src(%arg10 : memref<5208xf32, #tpu.memory_space<vmem>>) dst(%dma_wait3A_546 : memref<5208xf32, #tpu.memory_space<vmem_shared>>)
    %dma_start3A_547 = arith.constant 0 : i32
    %dma_start3A_548 = arith.constant 0 : i32
    %dma_start3A_549 = tpu.memref_slice %arg3[%dma_start3A_547, %dma_start3A_548] : memref<1x1000000xf32, #tpu.memory_space<hbm>> -> memref<1x1000000xf32, #tpu.memory_space<hbm>>
    %dma_start3A_550 = tpu.memref_squeeze %dma_start3A_549 : memref<1x1000000xf32, #tpu.memory_space<hbm>> -> memref<1000000xf32, #tpu.memory_space<hbm>>
    %dma_start3A_551 = tpu.memref_slice %dma_start3A_550[%add3A_303] : memref<1000000xf32, #tpu.memory_space<hbm>> -> memref<5208xf32, #tpu.memory_space<hbm>>
    %dma_start3A_552 = arith.constant 0 : i32
    %dma_start3A_553 = tpu.memref_slice %arg3[%dma_start3A_547, %dma_start3A_552] : memref<1x1000000xf32, #tpu.memory_space<hbm>> -> memref<1x1000000xf32, #tpu.memory_space<hbm>>
    %dma_start3A_554 = tpu.memref_squeeze %dma_start3A_553 : memref<1x1000000xf32, #tpu.memory_space<hbm>> -> memref<1000000xf32, #tpu.memory_space<hbm>>
    %dma_start3A_555 = tpu.memref_slice %dma_start3A_554[%add3A_303] : memref<1000000xf32, #tpu.memory_space<hbm>> -> memref<5208xf32, #tpu.memory_space<hbm>>
    tpu.enqueue_dma source(%dma_start3A_555 : memref<5208xf32, #tpu.memory_space<hbm>>) target(%arg10 : memref<5208xf32, #tpu.memory_space<vmem>>) target_semaphore(%arg16 : memref<!tpu.dma_semaphore, #tpu.memory_space<semaphore_mem>>)
    %dma_wait3A_556 = arith.constant 0 : i32
    %dma_wait3A_557 = arith.constant 0 : i32
    %dma_wait3A_558 = tpu.memref_slice %arg3[%dma_wait3A_556, %dma_wait3A_557] : memref<1x1000000xf32, #tpu.memory_space<hbm>> -> memref<1x1000000xf32, #tpu.memory_space<hbm>>
    %dma_wait3A_559 = tpu.memref_squeeze %dma_wait3A_558 : memref<1x1000000xf32, #tpu.memory_space<hbm>> -> memref<1000000xf32, #tpu.memory_space<hbm>>
    %dma_wait3A_560 = tpu.memref_slice %dma_wait3A_559[%add3A_295] : memref<1000000xf32, #tpu.memory_space<hbm>> -> memref<5208xf32, #tpu.memory_space<hbm>>
    %dma_wait3A_561 = arith.constant 0 : i32
    %dma_wait3A_562 = tpu.memref_slice %arg3[%dma_wait3A_556, %dma_wait3A_561] : memref<1x1000000xf32, #tpu.memory_space<hbm>> -> memref<1x1000000xf32, #tpu.memory_space<hbm>>
    %dma_wait3A_563 = tpu.memref_squeeze %dma_wait3A_562 : memref<1x1000000xf32, #tpu.memory_space<hbm>> -> memref<1000000xf32, #tpu.memory_space<hbm>>
    %dma_wait3A_564 = tpu.memref_slice %dma_wait3A_563[%add3A_295] : memref<1000000xf32, #tpu.memory_space<hbm>> -> memref<5208xf32, #tpu.memory_space<hbm>>
    tpu.wait_dma2 semaphore(%arg14 : memref<!tpu.dma_semaphore, #tpu.memory_space<semaphore_mem>>) src(%dma_wait3A_564 : memref<5208xf32, #tpu.memory_space<hbm>>) dst(%arg8 : memref<5208xf32, #tpu.memory_space<vmem>>)
    %dma_start3A_565 = tpu.memref_slice %arg12[%add3A_343] : memref<1000000xf32, #tpu.memory_space<vmem_shared>> -> memref<5208xf32, #tpu.memory_space<vmem_shared>>
    %dma_start3A_566 = tpu.memref_slice %arg12[%add3A_343] : memref<1000000xf32, #tpu.memory_space<vmem_shared>> -> memref<5208xf32, #tpu.memory_space<vmem_shared>>
    tpu.enqueue_dma source(%arg8 : memref<5208xf32, #tpu.memory_space<vmem>>) target(%dma_start3A_566 : memref<5208xf32, #tpu.memory_space<vmem_shared>>) target_semaphore(%arg18 : memref<!tpu.dma_semaphore, #tpu.memory_space<semaphore_mem>>)
    %dma_wait3A_567 = tpu.memref_slice %arg12[%add3A_339] : memref<1000000xf32, #tpu.memory_space<vmem_shared>> -> memref<5208xf32, #tpu.memory_space<vmem_shared>>
    %dma_wait3A_568 = tpu.memref_slice %arg12[%add3A_339] : memref<1000000xf32, #tpu.memory_space<vmem_shared>> -> memref<5208xf32, #tpu.memory_space<vmem_shared>>
    tpu.wait_dma2 semaphore(%arg21 : memref<!tpu.dma_semaphore, #tpu.memory_space<semaphore_mem>>) src(%arg11 : memref<5208xf32, #tpu.memory_space<vmem>>) dst(%dma_wait3A_568 : memref<5208xf32, #tpu.memory_space<vmem_shared>>)
    %dma_start3A_569 = arith.constant 0 : i32
    %dma_start3A_570 = arith.constant 0 : i32
    %dma_start3A_571 = tpu.memref_slice %arg3[%dma_start3A_569, %dma_start3A_570] : memref<1x1000000xf32, #tpu.memory_space<hbm>> -> memref<1x1000000xf32, #tpu.memory_space<hbm>>
    %dma_start3A_572 = tpu.memref_squeeze %dma_start3A_571 : memref<1x1000000xf32, #tpu.memory_space<hbm>> -> memref<1000000xf32, #tpu.memory_space<hbm>>
    %dma_start3A_573 = tpu.memref_slice %dma_start3A_572[%add3A_307] : memref<1000000xf32, #tpu.memory_space<hbm>> -> memref<5208xf32, #tpu.memory_space<hbm>>
    %dma_start3A_574 = arith.constant 0 : i32
    %dma_start3A_575 = tpu.memref_slice %arg3[%dma_start3A_569, %dma_start3A_574] : memref<1x1000000xf32, #tpu.memory_space<hbm>> -> memref<1x1000000xf32, #tpu.memory_space<hbm>>
    %dma_start3A_576 = tpu.memref_squeeze %dma_start3A_575 : memref<1x1000000xf32, #tpu.memory_space<hbm>> -> memref<1000000xf32, #tpu.memory_space<hbm>>
    %dma_start3A_577 = tpu.memref_slice %dma_start3A_576[%add3A_307] : memref<1000000xf32, #tpu.memory_space<hbm>> -> memref<5208xf32, #tpu.memory_space<hbm>>
    tpu.enqueue_dma source(%dma_start3A_577 : memref<5208xf32, #tpu.memory_space<hbm>>) target(%arg11 : memref<5208xf32, #tpu.memory_space<vmem>>) target_semaphore(%arg17 : memref<!tpu.dma_semaphore, #tpu.memory_space<semaphore_mem>>)
    %dma_wait3A_578 = arith.constant 0 : i32
    %dma_wait3A_579 = arith.constant 0 : i32
    %dma_wait3A_580 = tpu.memref_slice %arg3[%dma_wait3A_578, %dma_wait3A_579] : memref<1x1000000xf32, #tpu.memory_space<hbm>> -> memref<1x1000000xf32, #tpu.memory_space<hbm>>
    %dma_wait3A_581 = tpu.memref_squeeze %dma_wait3A_580 : memref<1x1000000xf32, #tpu.memory_space<hbm>> -> memref<1000000xf32, #tpu.memory_space<hbm>>
    %dma_wait3A_582 = tpu.memref_slice %dma_wait3A_581[%add3A_299] : memref<1000000xf32, #tpu.memory_space<hbm>> -> memref<5208xf32, #tpu.memory_space<hbm>>
    %dma_wait3A_583 = arith.constant 0 : i32
    %dma_wait3A_584 = tpu.memref_slice %arg3[%dma_wait3A_578, %dma_wait3A_583] : memref<1x1000000xf32, #tpu.memory_space<hbm>> -> memref<1x1000000xf32, #tpu.memory_space<hbm>>
    %dma_wait3A_585 = tpu.memref_squeeze %dma_wait3A_584 : memref<1x1000000xf32, #tpu.memory_space<hbm>> -> memref<1000000xf32, #tpu.memory_space<hbm>>
    %dma_wait3A_586 = tpu.memref_slice %dma_wait3A_585[%add3A_299] : memref<1000000xf32, #tpu.memory_space<hbm>> -> memref<5208xf32, #tpu.memory_space<hbm>>
    tpu.wait_dma2 semaphore(%arg15 : memref<!tpu.dma_semaphore, #tpu.memory_space<semaphore_mem>>) src(%dma_wait3A_586 : memref<5208xf32, #tpu.memory_space<hbm>>) dst(%arg9 : memref<5208xf32, #tpu.memory_space<vmem>>)
    %dma_start3A_587 = tpu.memref_slice %arg12[%add3A_347] : memref<1000000xf32, #tpu.memory_space<vmem_shared>> -> memref<5208xf32, #tpu.memory_space<vmem_shared>>
    %dma_start3A_588 = tpu.memref_slice %arg12[%add3A_347] : memref<1000000xf32, #tpu.memory_space<vmem_shared>> -> memref<5208xf32, #tpu.memory_space<vmem_shared>>
    tpu.enqueue_dma source(%arg9 : memref<5208xf32, #tpu.memory_space<vmem>>) target(%dma_start3A_588 : memref<5208xf32, #tpu.memory_space<vmem_shared>>) target_semaphore(%arg19 : memref<!tpu.dma_semaphore, #tpu.memory_space<semaphore_mem>>)
    %dma_wait3A_589 = arith.constant 0 : i32
    %dma_wait3A_590 = arith.constant 0 : i32
    %dma_wait3A_591 = tpu.memref_slice %arg3[%dma_wait3A_589, %dma_wait3A_590] : memref<1x1000000xf32, #tpu.memory_space<hbm>> -> memref<1x1000000xf32, #tpu.memory_space<hbm>>
    %dma_wait3A_592 = tpu.memref_squeeze %dma_wait3A_591 : memref<1x1000000xf32, #tpu.memory_space<hbm>> -> memref<1000000xf32, #tpu.memory_space<hbm>>
    %dma_wait3A_593 = tpu.memref_slice %dma_wait3A_592[%add3A_303] : memref<1000000xf32, #tpu.memory_space<hbm>> -> memref<5208xf32, #tpu.memory_space<hbm>>
    %dma_wait3A_594 = arith.constant 0 : i32
    %dma_wait3A_595 = tpu.memref_slice %arg3[%dma_wait3A_589, %dma_wait3A_594] : memref<1x1000000xf32, #tpu.memory_space<hbm>> -> memref<1x1000000xf32, #tpu.memory_space<hbm>>
    %dma_wait3A_596 = tpu.memref_squeeze %dma_wait3A_595 : memref<1x1000000xf32, #tpu.memory_space<hbm>> -> memref<1000000xf32, #tpu.memory_space<hbm>>
    %dma_wait3A_597 = tpu.memref_slice %dma_wait3A_596[%add3A_303] : memref<1000000xf32, #tpu.memory_space<hbm>> -> memref<5208xf32, #tpu.memory_space<hbm>>
    tpu.wait_dma2 semaphore(%arg16 : memref<!tpu.dma_semaphore, #tpu.memory_space<semaphore_mem>>) src(%dma_wait3A_597 : memref<5208xf32, #tpu.memory_space<hbm>>) dst(%arg10 : memref<5208xf32, #tpu.memory_space<vmem>>)
    %dma_start3A_598 = tpu.memref_slice %arg12[%add3A_351] : memref<1000000xf32, #tpu.memory_space<vmem_shared>> -> memref<5208xf32, #tpu.memory_space<vmem_shared>>
    %dma_start3A_599 = tpu.memref_slice %arg12[%add3A_351] : memref<1000000xf32, #tpu.memory_space<vmem_shared>> -> memref<5208xf32, #tpu.memory_space<vmem_shared>>
    tpu.enqueue_dma source(%arg10 : memref<5208xf32, #tpu.memory_space<vmem>>) target(%dma_start3A_599 : memref<5208xf32, #tpu.memory_space<vmem_shared>>) target_semaphore(%arg20 : memref<!tpu.dma_semaphore, #tpu.memory_space<semaphore_mem>>)
    %dma_wait3A_600 = arith.constant 0 : i32
    %dma_wait3A_601 = arith.constant 0 : i32
    %dma_wait3A_602 = tpu.memref_slice %arg3[%dma_wait3A_600, %dma_wait3A_601] : memref<1x1000000xf32, #tpu.memory_space<hbm>> -> memref<1x1000000xf32, #tpu.memory_space<hbm>>
    %dma_wait3A_603 = tpu.memref_squeeze %dma_wait3A_602 : memref<1x1000000xf32, #tpu.memory_space<hbm>> -> memref<1000000xf32, #tpu.memory_space<hbm>>
    %dma_wait3A_604 = tpu.memref_slice %dma_wait3A_603[%add3A_307] : memref<1000000xf32, #tpu.memory_space<hbm>> -> memref<5208xf32, #tpu.memory_space<hbm>>
    %dma_wait3A_605 = arith.constant 0 : i32
    %dma_wait3A_606 = tpu.memref_slice %arg3[%dma_wait3A_600, %dma_wait3A_605] : memref<1x1000000xf32, #tpu.memory_space<hbm>> -> memref<1x1000000xf32, #tpu.memory_space<hbm>>
    %dma_wait3A_607 = tpu.memref_squeeze %dma_wait3A_606 : memref<1x1000000xf32, #tpu.memory_space<hbm>> -> memref<1000000xf32, #tpu.memory_space<hbm>>
    %dma_wait3A_608 = tpu.memref_slice %dma_wait3A_607[%add3A_307] : memref<1000000xf32, #tpu.memory_space<hbm>> -> memref<5208xf32, #tpu.memory_space<hbm>>
    tpu.wait_dma2 semaphore(%arg17 : memref<!tpu.dma_semaphore, #tpu.memory_space<semaphore_mem>>) src(%dma_wait3A_608 : memref<5208xf32, #tpu.memory_space<hbm>>) dst(%arg11 : memref<5208xf32, #tpu.memory_space<vmem>>)
    %dma_start3A_609 = tpu.memref_slice %arg12[%add3A_355] : memref<1000000xf32, #tpu.memory_space<vmem_shared>> -> memref<5208xf32, #tpu.memory_space<vmem_shared>>
    %dma_start3A_610 = tpu.memref_slice %arg12[%add3A_355] : memref<1000000xf32, #tpu.memory_space<vmem_shared>> -> memref<5208xf32, #tpu.memory_space<vmem_shared>>
    tpu.enqueue_dma source(%arg11 : memref<5208xf32, #tpu.memory_space<vmem>>) target(%dma_start3A_610 : memref<5208xf32, #tpu.memory_space<vmem_shared>>) target_semaphore(%arg21 : memref<!tpu.dma_semaphore, #tpu.memory_space<semaphore_mem>>)
    %dma_wait3A_611 = tpu.memref_slice %arg12[%add3A_343] : memref<1000000xf32, #tpu.memory_space<vmem_shared>> -> memref<5208xf32, #tpu.memory_space<vmem_shared>>
    %dma_wait3A_612 = tpu.memref_slice %arg12[%add3A_343] : memref<1000000xf32, #tpu.memory_space<vmem_shared>> -> memref<5208xf32, #tpu.memory_space<vmem_shared>>
    tpu.wait_dma2 semaphore(%arg18 : memref<!tpu.dma_semaphore, #tpu.memory_space<semaphore_mem>>) src(%arg8 : memref<5208xf32, #tpu.memory_space<vmem>>) dst(%dma_wait3A_612 : memref<5208xf32, #tpu.memory_space<vmem_shared>>)
    %dma_wait3A_613 = tpu.memref_slice %arg12[%add3A_347] : memref<1000000xf32, #tpu.memory_space<vmem_shared>> -> memref<5208xf32, #tpu.memory_space<vmem_shared>>
    %dma_wait3A_614 = tpu.memref_slice %arg12[%add3A_347] : memref<1000000xf32, #tpu.memory_space<vmem_shared>> -> memref<5208xf32, #tpu.memory_space<vmem_shared>>
    tpu.wait_dma2 semaphore(%arg19 : memref<!tpu.dma_semaphore, #tpu.memory_space<semaphore_mem>>) src(%arg9 : memref<5208xf32, #tpu.memory_space<vmem>>) dst(%dma_wait3A_614 : memref<5208xf32, #tpu.memory_space<vmem_shared>>)
    %dma_wait3A_615 = tpu.memref_slice %arg12[%add3A_351] : memref<1000000xf32, #tpu.memory_space<vmem_shared>> -> memref<5208xf32, #tpu.memory_space<vmem_shared>>
    %dma_wait3A_616 = tpu.memref_slice %arg12[%add3A_351] : memref<1000000xf32, #tpu.memory_space<vmem_shared>> -> memref<5208xf32, #tpu.memory_space<vmem_shared>>
    tpu.wait_dma2 semaphore(%arg20 : memref<!tpu.dma_semaphore, #tpu.memory_space<semaphore_mem>>) src(%arg10 : memref<5208xf32, #tpu.memory_space<vmem>>) dst(%dma_wait3A_616 : memref<5208xf32, #tpu.memory_space<vmem_shared>>)
    %dma_wait3A_617 = tpu.memref_slice %arg12[%add3A_355] : memref<1000000xf32, #tpu.memory_space<vmem_shared>> -> memref<5208xf32, #tpu.memory_space<vmem_shared>>
    %dma_wait3A_618 = tpu.memref_slice %arg12[%add3A_355] : memref<1000000xf32, #tpu.memory_space<vmem_shared>> -> memref<5208xf32, #tpu.memory_space<vmem_shared>>
    tpu.wait_dma2 semaphore(%arg21 : memref<!tpu.dma_semaphore, #tpu.memory_space<semaphore_mem>>) src(%arg11 : memref<5208xf32, #tpu.memory_space<vmem>>) dst(%dma_wait3A_618 : memref<5208xf32, #tpu.memory_space<vmem_shared>>)
    %eq3A = arith.constant 0 : i32
    %eq3A_619 = arith.cmpi eq, %arg1, %eq3A : i32
    %convert_element_type3A = arith.extui %eq3A_619 : i1 to i32
    %cond3A = arith.constant 0 : i32
    %cond3A_620 = arith.cmpi ne, %convert_element_type3A, %cond3A : i32
    scf.if %cond3A_620 {
      %dma_start3A_816 = arith.constant 0 : i32
      %dma_start3A_817 = arith.constant 0 : i32
      %dma_start3A_818 = tpu.memref_slice %arg8[%dma_start3A_817] : memref<5208xf32, #tpu.memory_space<vmem>> -> memref<64xf32, #tpu.memory_space<vmem>>
      %dma_start3A_819 = arith.constant 0 : i32
      %dma_start3A_820 = tpu.memref_slice %arg3[%dma_start3A_816, %dma_start3A_819] : memref<1x1000000xf32, #tpu.memory_space<hbm>> -> memref<1x1000000xf32, #tpu.memory_space<hbm>>
      %dma_start3A_821 = tpu.memref_squeeze %dma_start3A_820 : memref<1x1000000xf32, #tpu.memory_space<hbm>> -> memref<1000000xf32, #tpu.memory_space<hbm>>
      %dma_start3A_822 = arith.constant 999936 : i32
      %dma_start3A_823 = tpu.memref_slice %dma_start3A_821[%dma_start3A_822] : memref<1000000xf32, #tpu.memory_space<hbm>> -> memref<64xf32, #tpu.memory_space<hbm>>
      %dma_start3A_824 = arith.constant 0 : i32
      %dma_start3A_825 = tpu.memref_slice %arg8[%dma_start3A_824] : memref<5208xf32, #tpu.memory_space<vmem>> -> memref<64xf32, #tpu.memory_space<vmem>>
      %dma_start3A_826 = arith.constant 0 : i32
      %dma_start3A_827 = tpu.memref_slice %arg3[%dma_start3A_816, %dma_start3A_826] : memref<1x1000000xf32, #tpu.memory_space<hbm>> -> memref<1x1000000xf32, #tpu.memory_space<hbm>>
      %dma_start3A_828 = tpu.memref_squeeze %dma_start3A_827 : memref<1x1000000xf32, #tpu.memory_space<hbm>> -> memref<1000000xf32, #tpu.memory_space<hbm>>
      %dma_start3A_829 = arith.constant 999936 : i32
      %dma_start3A_830 = tpu.memref_slice %dma_start3A_828[%dma_start3A_829] : memref<1000000xf32, #tpu.memory_space<hbm>> -> memref<64xf32, #tpu.memory_space<hbm>>
      tpu.enqueue_dma source(%dma_start3A_830 : memref<64xf32, #tpu.memory_space<hbm>>) target(%dma_start3A_825 : memref<64xf32, #tpu.memory_space<vmem>>) target_semaphore(%arg14 : memref<!tpu.dma_semaphore, #tpu.memory_space<semaphore_mem>>)
      %dma_wait3A_831 = arith.constant 0 : i32
      %dma_wait3A_832 = arith.constant 0 : i32
      %dma_wait3A_833 = tpu.memref_slice %arg8[%dma_wait3A_832] : memref<5208xf32, #tpu.memory_space<vmem>> -> memref<64xf32, #tpu.memory_space<vmem>>
      %dma_wait3A_834 = arith.constant 0 : i32
      %dma_wait3A_835 = tpu.memref_slice %arg3[%dma_wait3A_831, %dma_wait3A_834] : memref<1x1000000xf32, #tpu.memory_space<hbm>> -> memref<1x1000000xf32, #tpu.memory_space<hbm>>
      %dma_wait3A_836 = tpu.memref_squeeze %dma_wait3A_835 : memref<1x1000000xf32, #tpu.memory_space<hbm>> -> memref<1000000xf32, #tpu.memory_space<hbm>>
      %dma_wait3A_837 = arith.constant 999936 : i32
      %dma_wait3A_838 = tpu.memref_slice %dma_wait3A_836[%dma_wait3A_837] : memref<1000000xf32, #tpu.memory_space<hbm>> -> memref<64xf32, #tpu.memory_space<hbm>>
      %dma_wait3A_839 = arith.constant 0 : i32
      %dma_wait3A_840 = tpu.memref_slice %arg8[%dma_wait3A_839] : memref<5208xf32, #tpu.memory_space<vmem>> -> memref<64xf32, #tpu.memory_space<vmem>>
      %dma_wait3A_841 = arith.constant 0 : i32
      %dma_wait3A_842 = tpu.memref_slice %arg3[%dma_wait3A_831, %dma_wait3A_841] : memref<1x1000000xf32, #tpu.memory_space<hbm>> -> memref<1x1000000xf32, #tpu.memory_space<hbm>>
      %dma_wait3A_843 = tpu.memref_squeeze %dma_wait3A_842 : memref<1x1000000xf32, #tpu.memory_space<hbm>> -> memref<1000000xf32, #tpu.memory_space<hbm>>
      %dma_wait3A_844 = arith.constant 999936 : i32
      %dma_wait3A_845 = tpu.memref_slice %dma_wait3A_843[%dma_wait3A_844] : memref<1000000xf32, #tpu.memory_space<hbm>> -> memref<64xf32, #tpu.memory_space<hbm>>
      tpu.wait_dma2 semaphore(%arg14 : memref<!tpu.dma_semaphore, #tpu.memory_space<semaphore_mem>>) src(%dma_wait3A_845 : memref<64xf32, #tpu.memory_space<hbm>>) dst(%dma_wait3A_840 : memref<64xf32, #tpu.memory_space<vmem>>)
      %dma_start3A_846 = arith.constant 0 : i32
      %dma_start3A_847 = tpu.memref_slice %arg8[%dma_start3A_846] : memref<5208xf32, #tpu.memory_space<vmem>> -> memref<64xf32, #tpu.memory_space<vmem>>
      %dma_start3A_848 = arith.constant 999936 : i32
      %dma_start3A_849 = tpu.memref_slice %arg12[%dma_start3A_848] : memref<1000000xf32, #tpu.memory_space<vmem_shared>> -> memref<64xf32, #tpu.memory_space<vmem_shared>>
      %dma_start3A_850 = arith.constant 999936 : i32
      %dma_start3A_851 = tpu.memref_slice %arg12[%dma_start3A_850] : memref<1000000xf32, #tpu.memory_space<vmem_shared>> -> memref<64xf32, #tpu.memory_space<vmem_shared>>
      %dma_start3A_852 = arith.constant 0 : i32
      %dma_start3A_853 = tpu.memref_slice %arg8[%dma_start3A_852] : memref<5208xf32, #tpu.memory_space<vmem>> -> memref<64xf32, #tpu.memory_space<vmem>>
      tpu.enqueue_dma source(%dma_start3A_853 : memref<64xf32, #tpu.memory_space<vmem>>) target(%dma_start3A_851 : memref<64xf32, #tpu.memory_space<vmem_shared>>) target_semaphore(%arg18 : memref<!tpu.dma_semaphore, #tpu.memory_space<semaphore_mem>>)
      %dma_wait3A_854 = arith.constant 0 : i32
      %dma_wait3A_855 = tpu.memref_slice %arg8[%dma_wait3A_854] : memref<5208xf32, #tpu.memory_space<vmem>> -> memref<64xf32, #tpu.memory_space<vmem>>
      %dma_wait3A_856 = arith.constant 999936 : i32
      %dma_wait3A_857 = tpu.memref_slice %arg12[%dma_wait3A_856] : memref<1000000xf32, #tpu.memory_space<vmem_shared>> -> memref<64xf32, #tpu.memory_space<vmem_shared>>
      %dma_wait3A_858 = arith.constant 999936 : i32
      %dma_wait3A_859 = tpu.memref_slice %arg12[%dma_wait3A_858] : memref<1000000xf32, #tpu.memory_space<vmem_shared>> -> memref<64xf32, #tpu.memory_space<vmem_shared>>
      %dma_wait3A_860 = arith.constant 0 : i32
      %dma_wait3A_861 = tpu.memref_slice %arg8[%dma_wait3A_860] : memref<5208xf32, #tpu.memory_space<vmem>> -> memref<64xf32, #tpu.memory_space<vmem>>
      tpu.wait_dma2 semaphore(%arg18 : memref<!tpu.dma_semaphore, #tpu.memory_space<semaphore_mem>>) src(%dma_wait3A_861 : memref<64xf32, #tpu.memory_space<vmem>>) dst(%dma_wait3A_859 : memref<64xf32, #tpu.memory_space<vmem_shared>>)
    } else {
    }
    %dma_wait3A_621 = arith.constant 0 : i32
    %dma_wait3A_622 = tpu.memref_slice %arg5[%dma_wait3A_621] : memref<13312xi32, #tpu.memory_space<vmem>> -> memref<512xi32, #tpu.memory_space<vmem>>
    %dma_wait3A_623 = tpu.memref_slice %arg2[%add3A_4] : memref<425984xi32, #tpu.memory_space<hbm>> -> memref<512xi32, #tpu.memory_space<hbm>>
    %dma_wait3A_624 = arith.constant 0 : i32
    %dma_wait3A_625 = tpu.memref_slice %arg5[%dma_wait3A_624] : memref<13312xi32, #tpu.memory_space<vmem>> -> memref<512xi32, #tpu.memory_space<vmem>>
    %dma_wait3A_626 = tpu.memref_slice %arg2[%add3A_4] : memref<425984xi32, #tpu.memory_space<hbm>> -> memref<512xi32, #tpu.memory_space<hbm>>
    tpu.wait_dma2 semaphore(%arg22 : memref<!tpu.dma_semaphore, #tpu.memory_space<semaphore_mem>>) src(%dma_wait3A_626 : memref<512xi32, #tpu.memory_space<hbm>>) dst(%dma_wait3A_625 : memref<512xi32, #tpu.memory_space<vmem>>)
    %dma_wait3A_627 = arith.constant 512 : i32
    %dma_wait3A_628 = tpu.memref_slice %arg5[%dma_wait3A_627] : memref<13312xi32, #tpu.memory_space<vmem>> -> memref<512xi32, #tpu.memory_space<vmem>>
    %dma_wait3A_629 = tpu.memref_slice %arg2[%add3A_8] : memref<425984xi32, #tpu.memory_space<hbm>> -> memref<512xi32, #tpu.memory_space<hbm>>
    %dma_wait3A_630 = arith.constant 512 : i32
    %dma_wait3A_631 = tpu.memref_slice %arg5[%dma_wait3A_630] : memref<13312xi32, #tpu.memory_space<vmem>> -> memref<512xi32, #tpu.memory_space<vmem>>
    %dma_wait3A_632 = tpu.memref_slice %arg2[%add3A_8] : memref<425984xi32, #tpu.memory_space<hbm>> -> memref<512xi32, #tpu.memory_space<hbm>>
    tpu.wait_dma2 semaphore(%arg22 : memref<!tpu.dma_semaphore, #tpu.memory_space<semaphore_mem>>) src(%dma_wait3A_632 : memref<512xi32, #tpu.memory_space<hbm>>) dst(%dma_wait3A_631 : memref<512xi32, #tpu.memory_space<vmem>>)
    %dma_wait3A_633 = arith.constant 1024 : i32
    %dma_wait3A_634 = tpu.memref_slice %arg5[%dma_wait3A_633] : memref<13312xi32, #tpu.memory_space<vmem>> -> memref<512xi32, #tpu.memory_space<vmem>>
    %dma_wait3A_635 = tpu.memref_slice %arg2[%add3A_12] : memref<425984xi32, #tpu.memory_space<hbm>> -> memref<512xi32, #tpu.memory_space<hbm>>
    %dma_wait3A_636 = arith.constant 1024 : i32
    %dma_wait3A_637 = tpu.memref_slice %arg5[%dma_wait3A_636] : memref<13312xi32, #tpu.memory_space<vmem>> -> memref<512xi32, #tpu.memory_space<vmem>>
    %dma_wait3A_638 = tpu.memref_slice %arg2[%add3A_12] : memref<425984xi32, #tpu.memory_space<hbm>> -> memref<512xi32, #tpu.memory_space<hbm>>
    tpu.wait_dma2 semaphore(%arg22 : memref<!tpu.dma_semaphore, #tpu.memory_space<semaphore_mem>>) src(%dma_wait3A_638 : memref<512xi32, #tpu.memory_space<hbm>>) dst(%dma_wait3A_637 : memref<512xi32, #tpu.memory_space<vmem>>)
    %dma_wait3A_639 = arith.constant 1536 : i32
    %dma_wait3A_640 = tpu.memref_slice %arg5[%dma_wait3A_639] : memref<13312xi32, #tpu.memory_space<vmem>> -> memref<512xi32, #tpu.memory_space<vmem>>
    %dma_wait3A_641 = tpu.memref_slice %arg2[%add3A_16] : memref<425984xi32, #tpu.memory_space<hbm>> -> memref<512xi32, #tpu.memory_space<hbm>>
    %dma_wait3A_642 = arith.constant 1536 : i32
    %dma_wait3A_643 = tpu.memref_slice %arg5[%dma_wait3A_642] : memref<13312xi32, #tpu.memory_space<vmem>> -> memref<512xi32, #tpu.memory_space<vmem>>
    %dma_wait3A_644 = tpu.memref_slice %arg2[%add3A_16] : memref<425984xi32, #tpu.memory_space<hbm>> -> memref<512xi32, #tpu.memory_space<hbm>>
    tpu.wait_dma2 semaphore(%arg22 : memref<!tpu.dma_semaphore, #tpu.memory_space<semaphore_mem>>) src(%dma_wait3A_644 : memref<512xi32, #tpu.memory_space<hbm>>) dst(%dma_wait3A_643 : memref<512xi32, #tpu.memory_space<vmem>>)
    %dma_wait3A_645 = arith.constant 2048 : i32
    %dma_wait3A_646 = tpu.memref_slice %arg5[%dma_wait3A_645] : memref<13312xi32, #tpu.memory_space<vmem>> -> memref<512xi32, #tpu.memory_space<vmem>>
    %dma_wait3A_647 = tpu.memref_slice %arg2[%add3A_20] : memref<425984xi32, #tpu.memory_space<hbm>> -> memref<512xi32, #tpu.memory_space<hbm>>
    %dma_wait3A_648 = arith.constant 2048 : i32
    %dma_wait3A_649 = tpu.memref_slice %arg5[%dma_wait3A_648] : memref<13312xi32, #tpu.memory_space<vmem>> -> memref<512xi32, #tpu.memory_space<vmem>>
    %dma_wait3A_650 = tpu.memref_slice %arg2[%add3A_20] : memref<425984xi32, #tpu.memory_space<hbm>> -> memref<512xi32, #tpu.memory_space<hbm>>
    tpu.wait_dma2 semaphore(%arg22 : memref<!tpu.dma_semaphore, #tpu.memory_space<semaphore_mem>>) src(%dma_wait3A_650 : memref<512xi32, #tpu.memory_space<hbm>>) dst(%dma_wait3A_649 : memref<512xi32, #tpu.memory_space<vmem>>)
    %dma_wait3A_651 = arith.constant 2560 : i32
    %dma_wait3A_652 = tpu.memref_slice %arg5[%dma_wait3A_651] : memref<13312xi32, #tpu.memory_space<vmem>> -> memref<512xi32, #tpu.memory_space<vmem>>
    %dma_wait3A_653 = tpu.memref_slice %arg2[%add3A_24] : memref<425984xi32, #tpu.memory_space<hbm>> -> memref<512xi32, #tpu.memory_space<hbm>>
    %dma_wait3A_654 = arith.constant 2560 : i32
    %dma_wait3A_655 = tpu.memref_slice %arg5[%dma_wait3A_654] : memref<13312xi32, #tpu.memory_space<vmem>> -> memref<512xi32, #tpu.memory_space<vmem>>
    %dma_wait3A_656 = tpu.memref_slice %arg2[%add3A_24] : memref<425984xi32, #tpu.memory_space<hbm>> -> memref<512xi32, #tpu.memory_space<hbm>>
    tpu.wait_dma2 semaphore(%arg22 : memref<!tpu.dma_semaphore, #tpu.memory_space<semaphore_mem>>) src(%dma_wait3A_656 : memref<512xi32, #tpu.memory_space<hbm>>) dst(%dma_wait3A_655 : memref<512xi32, #tpu.memory_space<vmem>>)
    %dma_wait3A_657 = arith.constant 3072 : i32
    %dma_wait3A_658 = tpu.memref_slice %arg5[%dma_wait3A_657] : memref<13312xi32, #tpu.memory_space<vmem>> -> memref<512xi32, #tpu.memory_space<vmem>>
    %dma_wait3A_659 = tpu.memref_slice %arg2[%add3A_28] : memref<425984xi32, #tpu.memory_space<hbm>> -> memref<512xi32, #tpu.memory_space<hbm>>
    %dma_wait3A_660 = arith.constant 3072 : i32
    %dma_wait3A_661 = tpu.memref_slice %arg5[%dma_wait3A_660] : memref<13312xi32, #tpu.memory_space<vmem>> -> memref<512xi32, #tpu.memory_space<vmem>>
    %dma_wait3A_662 = tpu.memref_slice %arg2[%add3A_28] : memref<425984xi32, #tpu.memory_space<hbm>> -> memref<512xi32, #tpu.memory_space<hbm>>
    tpu.wait_dma2 semaphore(%arg22 : memref<!tpu.dma_semaphore, #tpu.memory_space<semaphore_mem>>) src(%dma_wait3A_662 : memref<512xi32, #tpu.memory_space<hbm>>) dst(%dma_wait3A_661 : memref<512xi32, #tpu.memory_space<vmem>>)
    %dma_wait3A_663 = arith.constant 3584 : i32
    %dma_wait3A_664 = tpu.memref_slice %arg5[%dma_wait3A_663] : memref<13312xi32, #tpu.memory_space<vmem>> -> memref<512xi32, #tpu.memory_space<vmem>>
    %dma_wait3A_665 = tpu.memref_slice %arg2[%add3A_32] : memref<425984xi32, #tpu.memory_space<hbm>> -> memref<512xi32, #tpu.memory_space<hbm>>
    %dma_wait3A_666 = arith.constant 3584 : i32
    %dma_wait3A_667 = tpu.memref_slice %arg5[%dma_wait3A_666] : memref<13312xi32, #tpu.memory_space<vmem>> -> memref<512xi32, #tpu.memory_space<vmem>>
    %dma_wait3A_668 = tpu.memref_slice %arg2[%add3A_32] : memref<425984xi32, #tpu.memory_space<hbm>> -> memref<512xi32, #tpu.memory_space<hbm>>
    tpu.wait_dma2 semaphore(%arg22 : memref<!tpu.dma_semaphore, #tpu.memory_space<semaphore_mem>>) src(%dma_wait3A_668 : memref<512xi32, #tpu.memory_space<hbm>>) dst(%dma_wait3A_667 : memref<512xi32, #tpu.memory_space<vmem>>)
    %dma_wait3A_669 = arith.constant 4096 : i32
    %dma_wait3A_670 = tpu.memref_slice %arg5[%dma_wait3A_669] : memref<13312xi32, #tpu.memory_space<vmem>> -> memref<512xi32, #tpu.memory_space<vmem>>
    %dma_wait3A_671 = tpu.memref_slice %arg2[%add3A_36] : memref<425984xi32, #tpu.memory_space<hbm>> -> memref<512xi32, #tpu.memory_space<hbm>>
    %dma_wait3A_672 = arith.constant 4096 : i32
    %dma_wait3A_673 = tpu.memref_slice %arg5[%dma_wait3A_672] : memref<13312xi32, #tpu.memory_space<vmem>> -> memref<512xi32, #tpu.memory_space<vmem>>
    %dma_wait3A_674 = tpu.memref_slice %arg2[%add3A_36] : memref<425984xi32, #tpu.memory_space<hbm>> -> memref<512xi32, #tpu.memory_space<hbm>>
    tpu.wait_dma2 semaphore(%arg22 : memref<!tpu.dma_semaphore, #tpu.memory_space<semaphore_mem>>) src(%dma_wait3A_674 : memref<512xi32, #tpu.memory_space<hbm>>) dst(%dma_wait3A_673 : memref<512xi32, #tpu.memory_space<vmem>>)
    %dma_wait3A_675 = arith.constant 4608 : i32
    %dma_wait3A_676 = tpu.memref_slice %arg5[%dma_wait3A_675] : memref<13312xi32, #tpu.memory_space<vmem>> -> memref<512xi32, #tpu.memory_space<vmem>>
    %dma_wait3A_677 = tpu.memref_slice %arg2[%add3A_40] : memref<425984xi32, #tpu.memory_space<hbm>> -> memref<512xi32, #tpu.memory_space<hbm>>
    %dma_wait3A_678 = arith.constant 4608 : i32
    %dma_wait3A_679 = tpu.memref_slice %arg5[%dma_wait3A_678] : memref<13312xi32, #tpu.memory_space<vmem>> -> memref<512xi32, #tpu.memory_space<vmem>>
    %dma_wait3A_680 = tpu.memref_slice %arg2[%add3A_40] : memref<425984xi32, #tpu.memory_space<hbm>> -> memref<512xi32, #tpu.memory_space<hbm>>
    tpu.wait_dma2 semaphore(%arg22 : memref<!tpu.dma_semaphore, #tpu.memory_space<semaphore_mem>>) src(%dma_wait3A_680 : memref<512xi32, #tpu.memory_space<hbm>>) dst(%dma_wait3A_679 : memref<512xi32, #tpu.memory_space<vmem>>)
    %dma_wait3A_681 = arith.constant 5120 : i32
    %dma_wait3A_682 = tpu.memref_slice %arg5[%dma_wait3A_681] : memref<13312xi32, #tpu.memory_space<vmem>> -> memref<512xi32, #tpu.memory_space<vmem>>
    %dma_wait3A_683 = tpu.memref_slice %arg2[%add3A_44] : memref<425984xi32, #tpu.memory_space<hbm>> -> memref<512xi32, #tpu.memory_space<hbm>>
    %dma_wait3A_684 = arith.constant 5120 : i32
    %dma_wait3A_685 = tpu.memref_slice %arg5[%dma_wait3A_684] : memref<13312xi32, #tpu.memory_space<vmem>> -> memref<512xi32, #tpu.memory_space<vmem>>
    %dma_wait3A_686 = tpu.memref_slice %arg2[%add3A_44] : memref<425984xi32, #tpu.memory_space<hbm>> -> memref<512xi32, #tpu.memory_space<hbm>>
    tpu.wait_dma2 semaphore(%arg22 : memref<!tpu.dma_semaphore, #tpu.memory_space<semaphore_mem>>) src(%dma_wait3A_686 : memref<512xi32, #tpu.memory_space<hbm>>) dst(%dma_wait3A_685 : memref<512xi32, #tpu.memory_space<vmem>>)
    %dma_wait3A_687 = arith.constant 5632 : i32
    %dma_wait3A_688 = tpu.memref_slice %arg5[%dma_wait3A_687] : memref<13312xi32, #tpu.memory_space<vmem>> -> memref<512xi32, #tpu.memory_space<vmem>>
    %dma_wait3A_689 = tpu.memref_slice %arg2[%add3A_48] : memref<425984xi32, #tpu.memory_space<hbm>> -> memref<512xi32, #tpu.memory_space<hbm>>
    %dma_wait3A_690 = arith.constant 5632 : i32
    %dma_wait3A_691 = tpu.memref_slice %arg5[%dma_wait3A_690] : memref<13312xi32, #tpu.memory_space<vmem>> -> memref<512xi32, #tpu.memory_space<vmem>>
    %dma_wait3A_692 = tpu.memref_slice %arg2[%add3A_48] : memref<425984xi32, #tpu.memory_space<hbm>> -> memref<512xi32, #tpu.memory_space<hbm>>
    tpu.wait_dma2 semaphore(%arg22 : memref<!tpu.dma_semaphore, #tpu.memory_space<semaphore_mem>>) src(%dma_wait3A_692 : memref<512xi32, #tpu.memory_space<hbm>>) dst(%dma_wait3A_691 : memref<512xi32, #tpu.memory_space<vmem>>)
    %dma_wait3A_693 = arith.constant 6144 : i32
    %dma_wait3A_694 = tpu.memref_slice %arg5[%dma_wait3A_693] : memref<13312xi32, #tpu.memory_space<vmem>> -> memref<512xi32, #tpu.memory_space<vmem>>
    %dma_wait3A_695 = tpu.memref_slice %arg2[%add3A_52] : memref<425984xi32, #tpu.memory_space<hbm>> -> memref<512xi32, #tpu.memory_space<hbm>>
    %dma_wait3A_696 = arith.constant 6144 : i32
    %dma_wait3A_697 = tpu.memref_slice %arg5[%dma_wait3A_696] : memref<13312xi32, #tpu.memory_space<vmem>> -> memref<512xi32, #tpu.memory_space<vmem>>
    %dma_wait3A_698 = tpu.memref_slice %arg2[%add3A_52] : memref<425984xi32, #tpu.memory_space<hbm>> -> memref<512xi32, #tpu.memory_space<hbm>>
    tpu.wait_dma2 semaphore(%arg22 : memref<!tpu.dma_semaphore, #tpu.memory_space<semaphore_mem>>) src(%dma_wait3A_698 : memref<512xi32, #tpu.memory_space<hbm>>) dst(%dma_wait3A_697 : memref<512xi32, #tpu.memory_space<vmem>>)
    %dma_wait3A_699 = arith.constant 6656 : i32
    %dma_wait3A_700 = tpu.memref_slice %arg5[%dma_wait3A_699] : memref<13312xi32, #tpu.memory_space<vmem>> -> memref<512xi32, #tpu.memory_space<vmem>>
    %dma_wait3A_701 = tpu.memref_slice %arg2[%add3A_56] : memref<425984xi32, #tpu.memory_space<hbm>> -> memref<512xi32, #tpu.memory_space<hbm>>
    %dma_wait3A_702 = arith.constant 6656 : i32
    %dma_wait3A_703 = tpu.memref_slice %arg5[%dma_wait3A_702] : memref<13312xi32, #tpu.memory_space<vmem>> -> memref<512xi32, #tpu.memory_space<vmem>>
    %dma_wait3A_704 = tpu.memref_slice %arg2[%add3A_56] : memref<425984xi32, #tpu.memory_space<hbm>> -> memref<512xi32, #tpu.memory_space<hbm>>
    tpu.wait_dma2 semaphore(%arg22 : memref<!tpu.dma_semaphore, #tpu.memory_space<semaphore_mem>>) src(%dma_wait3A_704 : memref<512xi32, #tpu.memory_space<hbm>>) dst(%dma_wait3A_703 : memref<512xi32, #tpu.memory_space<vmem>>)
    %dma_wait3A_705 = arith.constant 7168 : i32
    %dma_wait3A_706 = tpu.memref_slice %arg5[%dma_wait3A_705] : memref<13312xi32, #tpu.memory_space<vmem>> -> memref<512xi32, #tpu.memory_space<vmem>>
    %dma_wait3A_707 = tpu.memref_slice %arg2[%add3A_60] : memref<425984xi32, #tpu.memory_space<hbm>> -> memref<512xi32, #tpu.memory_space<hbm>>
    %dma_wait3A_708 = arith.constant 7168 : i32
    %dma_wait3A_709 = tpu.memref_slice %arg5[%dma_wait3A_708] : memref<13312xi32, #tpu.memory_space<vmem>> -> memref<512xi32, #tpu.memory_space<vmem>>
    %dma_wait3A_710 = tpu.memref_slice %arg2[%add3A_60] : memref<425984xi32, #tpu.memory_space<hbm>> -> memref<512xi32, #tpu.memory_space<hbm>>
    tpu.wait_dma2 semaphore(%arg22 : memref<!tpu.dma_semaphore, #tpu.memory_space<semaphore_mem>>) src(%dma_wait3A_710 : memref<512xi32, #tpu.memory_space<hbm>>) dst(%dma_wait3A_709 : memref<512xi32, #tpu.memory_space<vmem>>)
    %dma_wait3A_711 = arith.constant 7680 : i32
    %dma_wait3A_712 = tpu.memref_slice %arg5[%dma_wait3A_711] : memref<13312xi32, #tpu.memory_space<vmem>> -> memref<512xi32, #tpu.memory_space<vmem>>
    %dma_wait3A_713 = tpu.memref_slice %arg2[%add3A_64] : memref<425984xi32, #tpu.memory_space<hbm>> -> memref<512xi32, #tpu.memory_space<hbm>>
    %dma_wait3A_714 = arith.constant 7680 : i32
    %dma_wait3A_715 = tpu.memref_slice %arg5[%dma_wait3A_714] : memref<13312xi32, #tpu.memory_space<vmem>> -> memref<512xi32, #tpu.memory_space<vmem>>
    %dma_wait3A_716 = tpu.memref_slice %arg2[%add3A_64] : memref<425984xi32, #tpu.memory_space<hbm>> -> memref<512xi32, #tpu.memory_space<hbm>>
    tpu.wait_dma2 semaphore(%arg22 : memref<!tpu.dma_semaphore, #tpu.memory_space<semaphore_mem>>) src(%dma_wait3A_716 : memref<512xi32, #tpu.memory_space<hbm>>) dst(%dma_wait3A_715 : memref<512xi32, #tpu.memory_space<vmem>>)
    %dma_wait3A_717 = arith.constant 8192 : i32
    %dma_wait3A_718 = tpu.memref_slice %arg5[%dma_wait3A_717] : memref<13312xi32, #tpu.memory_space<vmem>> -> memref<512xi32, #tpu.memory_space<vmem>>
    %dma_wait3A_719 = tpu.memref_slice %arg2[%add3A_68] : memref<425984xi32, #tpu.memory_space<hbm>> -> memref<512xi32, #tpu.memory_space<hbm>>
    %dma_wait3A_720 = arith.constant 8192 : i32
    %dma_wait3A_721 = tpu.memref_slice %arg5[%dma_wait3A_720] : memref<13312xi32, #tpu.memory_space<vmem>> -> memref<512xi32, #tpu.memory_space<vmem>>
    %dma_wait3A_722 = tpu.memref_slice %arg2[%add3A_68] : memref<425984xi32, #tpu.memory_space<hbm>> -> memref<512xi32, #tpu.memory_space<hbm>>
    tpu.wait_dma2 semaphore(%arg22 : memref<!tpu.dma_semaphore, #tpu.memory_space<semaphore_mem>>) src(%dma_wait3A_722 : memref<512xi32, #tpu.memory_space<hbm>>) dst(%dma_wait3A_721 : memref<512xi32, #tpu.memory_space<vmem>>)
    %dma_wait3A_723 = arith.constant 8704 : i32
    %dma_wait3A_724 = tpu.memref_slice %arg5[%dma_wait3A_723] : memref<13312xi32, #tpu.memory_space<vmem>> -> memref<512xi32, #tpu.memory_space<vmem>>
    %dma_wait3A_725 = tpu.memref_slice %arg2[%add3A_72] : memref<425984xi32, #tpu.memory_space<hbm>> -> memref<512xi32, #tpu.memory_space<hbm>>
    %dma_wait3A_726 = arith.constant 8704 : i32
    %dma_wait3A_727 = tpu.memref_slice %arg5[%dma_wait3A_726] : memref<13312xi32, #tpu.memory_space<vmem>> -> memref<512xi32, #tpu.memory_space<vmem>>
    %dma_wait3A_728 = tpu.memref_slice %arg2[%add3A_72] : memref<425984xi32, #tpu.memory_space<hbm>> -> memref<512xi32, #tpu.memory_space<hbm>>
    tpu.wait_dma2 semaphore(%arg22 : memref<!tpu.dma_semaphore, #tpu.memory_space<semaphore_mem>>) src(%dma_wait3A_728 : memref<512xi32, #tpu.memory_space<hbm>>) dst(%dma_wait3A_727 : memref<512xi32, #tpu.memory_space<vmem>>)
    %dma_wait3A_729 = arith.constant 9216 : i32
    %dma_wait3A_730 = tpu.memref_slice %arg5[%dma_wait3A_729] : memref<13312xi32, #tpu.memory_space<vmem>> -> memref<512xi32, #tpu.memory_space<vmem>>
    %dma_wait3A_731 = tpu.memref_slice %arg2[%add3A_76] : memref<425984xi32, #tpu.memory_space<hbm>> -> memref<512xi32, #tpu.memory_space<hbm>>
    %dma_wait3A_732 = arith.constant 9216 : i32
    %dma_wait3A_733 = tpu.memref_slice %arg5[%dma_wait3A_732] : memref<13312xi32, #tpu.memory_space<vmem>> -> memref<512xi32, #tpu.memory_space<vmem>>
    %dma_wait3A_734 = tpu.memref_slice %arg2[%add3A_76] : memref<425984xi32, #tpu.memory_space<hbm>> -> memref<512xi32, #tpu.memory_space<hbm>>
    tpu.wait_dma2 semaphore(%arg22 : memref<!tpu.dma_semaphore, #tpu.memory_space<semaphore_mem>>) src(%dma_wait3A_734 : memref<512xi32, #tpu.memory_space<hbm>>) dst(%dma_wait3A_733 : memref<512xi32, #tpu.memory_space<vmem>>)
    %dma_wait3A_735 = arith.constant 9728 : i32
    %dma_wait3A_736 = tpu.memref_slice %arg5[%dma_wait3A_735] : memref<13312xi32, #tpu.memory_space<vmem>> -> memref<512xi32, #tpu.memory_space<vmem>>
    %dma_wait3A_737 = tpu.memref_slice %arg2[%add3A_80] : memref<425984xi32, #tpu.memory_space<hbm>> -> memref<512xi32, #tpu.memory_space<hbm>>
    %dma_wait3A_738 = arith.constant 9728 : i32
    %dma_wait3A_739 = tpu.memref_slice %arg5[%dma_wait3A_738] : memref<13312xi32, #tpu.memory_space<vmem>> -> memref<512xi32, #tpu.memory_space<vmem>>
    %dma_wait3A_740 = tpu.memref_slice %arg2[%add3A_80] : memref<425984xi32, #tpu.memory_space<hbm>> -> memref<512xi32, #tpu.memory_space<hbm>>
    tpu.wait_dma2 semaphore(%arg22 : memref<!tpu.dma_semaphore, #tpu.memory_space<semaphore_mem>>) src(%dma_wait3A_740 : memref<512xi32, #tpu.memory_space<hbm>>) dst(%dma_wait3A_739 : memref<512xi32, #tpu.memory_space<vmem>>)
    %dma_wait3A_741 = arith.constant 10240 : i32
    %dma_wait3A_742 = tpu.memref_slice %arg5[%dma_wait3A_741] : memref<13312xi32, #tpu.memory_space<vmem>> -> memref<512xi32, #tpu.memory_space<vmem>>
    %dma_wait3A_743 = tpu.memref_slice %arg2[%add3A_84] : memref<425984xi32, #tpu.memory_space<hbm>> -> memref<512xi32, #tpu.memory_space<hbm>>
    %dma_wait3A_744 = arith.constant 10240 : i32
    %dma_wait3A_745 = tpu.memref_slice %arg5[%dma_wait3A_744] : memref<13312xi32, #tpu.memory_space<vmem>> -> memref<512xi32, #tpu.memory_space<vmem>>
    %dma_wait3A_746 = tpu.memref_slice %arg2[%add3A_84] : memref<425984xi32, #tpu.memory_space<hbm>> -> memref<512xi32, #tpu.memory_space<hbm>>
    tpu.wait_dma2 semaphore(%arg22 : memref<!tpu.dma_semaphore, #tpu.memory_space<semaphore_mem>>) src(%dma_wait3A_746 : memref<512xi32, #tpu.memory_space<hbm>>) dst(%dma_wait3A_745 : memref<512xi32, #tpu.memory_space<vmem>>)
    %dma_wait3A_747 = arith.constant 10752 : i32
    %dma_wait3A_748 = tpu.memref_slice %arg5[%dma_wait3A_747] : memref<13312xi32, #tpu.memory_space<vmem>> -> memref<512xi32, #tpu.memory_space<vmem>>
    %dma_wait3A_749 = tpu.memref_slice %arg2[%add3A_88] : memref<425984xi32, #tpu.memory_space<hbm>> -> memref<512xi32, #tpu.memory_space<hbm>>
    %dma_wait3A_750 = arith.constant 10752 : i32
    %dma_wait3A_751 = tpu.memref_slice %arg5[%dma_wait3A_750] : memref<13312xi32, #tpu.memory_space<vmem>> -> memref<512xi32, #tpu.memory_space<vmem>>
    %dma_wait3A_752 = tpu.memref_slice %arg2[%add3A_88] : memref<425984xi32, #tpu.memory_space<hbm>> -> memref<512xi32, #tpu.memory_space<hbm>>
    tpu.wait_dma2 semaphore(%arg22 : memref<!tpu.dma_semaphore, #tpu.memory_space<semaphore_mem>>) src(%dma_wait3A_752 : memref<512xi32, #tpu.memory_space<hbm>>) dst(%dma_wait3A_751 : memref<512xi32, #tpu.memory_space<vmem>>)
    %dma_wait3A_753 = arith.constant 11264 : i32
    %dma_wait3A_754 = tpu.memref_slice %arg5[%dma_wait3A_753] : memref<13312xi32, #tpu.memory_space<vmem>> -> memref<512xi32, #tpu.memory_space<vmem>>
    %dma_wait3A_755 = tpu.memref_slice %arg2[%add3A_92] : memref<425984xi32, #tpu.memory_space<hbm>> -> memref<512xi32, #tpu.memory_space<hbm>>
    %dma_wait3A_756 = arith.constant 11264 : i32
    %dma_wait3A_757 = tpu.memref_slice %arg5[%dma_wait3A_756] : memref<13312xi32, #tpu.memory_space<vmem>> -> memref<512xi32, #tpu.memory_space<vmem>>
    %dma_wait3A_758 = tpu.memref_slice %arg2[%add3A_92] : memref<425984xi32, #tpu.memory_space<hbm>> -> memref<512xi32, #tpu.memory_space<hbm>>
    tpu.wait_dma2 semaphore(%arg22 : memref<!tpu.dma_semaphore, #tpu.memory_space<semaphore_mem>>) src(%dma_wait3A_758 : memref<512xi32, #tpu.memory_space<hbm>>) dst(%dma_wait3A_757 : memref<512xi32, #tpu.memory_space<vmem>>)
    %dma_wait3A_759 = arith.constant 11776 : i32
    %dma_wait3A_760 = tpu.memref_slice %arg5[%dma_wait3A_759] : memref<13312xi32, #tpu.memory_space<vmem>> -> memref<512xi32, #tpu.memory_space<vmem>>
    %dma_wait3A_761 = tpu.memref_slice %arg2[%add3A_96] : memref<425984xi32, #tpu.memory_space<hbm>> -> memref<512xi32, #tpu.memory_space<hbm>>
    %dma_wait3A_762 = arith.constant 11776 : i32
    %dma_wait3A_763 = tpu.memref_slice %arg5[%dma_wait3A_762] : memref<13312xi32, #tpu.memory_space<vmem>> -> memref<512xi32, #tpu.memory_space<vmem>>
    %dma_wait3A_764 = tpu.memref_slice %arg2[%add3A_96] : memref<425984xi32, #tpu.memory_space<hbm>> -> memref<512xi32, #tpu.memory_space<hbm>>
    tpu.wait_dma2 semaphore(%arg22 : memref<!tpu.dma_semaphore, #tpu.memory_space<semaphore_mem>>) src(%dma_wait3A_764 : memref<512xi32, #tpu.memory_space<hbm>>) dst(%dma_wait3A_763 : memref<512xi32, #tpu.memory_space<vmem>>)
    %dma_wait3A_765 = arith.constant 12288 : i32
    %dma_wait3A_766 = tpu.memref_slice %arg5[%dma_wait3A_765] : memref<13312xi32, #tpu.memory_space<vmem>> -> memref<512xi32, #tpu.memory_space<vmem>>
    %dma_wait3A_767 = tpu.memref_slice %arg2[%add3A_100] : memref<425984xi32, #tpu.memory_space<hbm>> -> memref<512xi32, #tpu.memory_space<hbm>>
    %dma_wait3A_768 = arith.constant 12288 : i32
    %dma_wait3A_769 = tpu.memref_slice %arg5[%dma_wait3A_768] : memref<13312xi32, #tpu.memory_space<vmem>> -> memref<512xi32, #tpu.memory_space<vmem>>
    %dma_wait3A_770 = tpu.memref_slice %arg2[%add3A_100] : memref<425984xi32, #tpu.memory_space<hbm>> -> memref<512xi32, #tpu.memory_space<hbm>>
    tpu.wait_dma2 semaphore(%arg22 : memref<!tpu.dma_semaphore, #tpu.memory_space<semaphore_mem>>) src(%dma_wait3A_770 : memref<512xi32, #tpu.memory_space<hbm>>) dst(%dma_wait3A_769 : memref<512xi32, #tpu.memory_space<vmem>>)
    %dma_wait3A_771 = arith.constant 12800 : i32
    %dma_wait3A_772 = tpu.memref_slice %arg5[%dma_wait3A_771] : memref<13312xi32, #tpu.memory_space<vmem>> -> memref<512xi32, #tpu.memory_space<vmem>>
    %dma_wait3A_773 = tpu.memref_slice %arg2[%add3A_104] : memref<425984xi32, #tpu.memory_space<hbm>> -> memref<512xi32, #tpu.memory_space<hbm>>
    %dma_wait3A_774 = arith.constant 12800 : i32
    %dma_wait3A_775 = tpu.memref_slice %arg5[%dma_wait3A_774] : memref<13312xi32, #tpu.memory_space<vmem>> -> memref<512xi32, #tpu.memory_space<vmem>>
    %dma_wait3A_776 = tpu.memref_slice %arg2[%add3A_104] : memref<425984xi32, #tpu.memory_space<hbm>> -> memref<512xi32, #tpu.memory_space<hbm>>
    tpu.wait_dma2 semaphore(%arg22 : memref<!tpu.dma_semaphore, #tpu.memory_space<semaphore_mem>>) src(%dma_wait3A_776 : memref<512xi32, #tpu.memory_space<hbm>>) dst(%dma_wait3A_775 : memref<512xi32, #tpu.memory_space<vmem>>)
    %barrier3A = arith.constant 0 : index
    tpu.barrier barrier_id(%barrier3A)
    %dma_start3A_777 = arith.constant 0 : i32
    %dma_start3A_778 = tpu.memref_slice %arg6[%dma_start3A_777] : memref<13312xf32, #tpu.memory_space<vmem>> -> memref<6656xf32, #tpu.memory_space<vmem>>
    %dma_start3A_779 = arith.constant 0 : i32
    %dma_start3A_780 = tpu.memref_slice %arg5[%dma_start3A_779] : memref<13312xi32, #tpu.memory_space<vmem>> -> memref<6656xi32, #tpu.memory_space<vmem>>
    %dma_start3A_781 = arith.constant 0 : i32
    %dma_start3A_782 = tpu.memref_slice %arg12[%dma_start3A_781] : memref<1000000xf32, #tpu.memory_space<vmem_shared>> -> memref<1000000xf32, #tpu.memory_space<vmem_shared>>
    tpu.enqueue_indirect_dma source(%dma_start3A_782 : memref<1000000xf32, #tpu.memory_space<vmem_shared>>) target(%dma_start3A_778 : memref<6656xf32, #tpu.memory_space<vmem>>) offsets(%dma_start3A_780 : memref<6656xi32, #tpu.memory_space<vmem>>) semaphore(%arg13 : memref<!tpu.dma_semaphore, #tpu.memory_space<semaphore_mem>>)
    %dma_start3A_783 = arith.constant 6656 : i32
    %dma_start3A_784 = tpu.memref_slice %arg6[%dma_start3A_783] : memref<13312xf32, #tpu.memory_space<vmem>> -> memref<6656xf32, #tpu.memory_space<vmem>>
    %dma_start3A_785 = arith.constant 6656 : i32
    %dma_start3A_786 = tpu.memref_slice %arg5[%dma_start3A_785] : memref<13312xi32, #tpu.memory_space<vmem>> -> memref<6656xi32, #tpu.memory_space<vmem>>
    %dma_start3A_787 = arith.constant 0 : i32
    %dma_start3A_788 = tpu.memref_slice %arg12[%dma_start3A_787] : memref<1000000xf32, #tpu.memory_space<vmem_shared>> -> memref<1000000xf32, #tpu.memory_space<vmem_shared>>
    tpu.enqueue_indirect_dma source(%dma_start3A_788 : memref<1000000xf32, #tpu.memory_space<vmem_shared>>) target(%dma_start3A_784 : memref<6656xf32, #tpu.memory_space<vmem>>) offsets(%dma_start3A_786 : memref<6656xi32, #tpu.memory_space<vmem>>) semaphore(%arg14 : memref<!tpu.dma_semaphore, #tpu.memory_space<semaphore_mem>>)
    %dma_wait3A_789 = arith.constant 0 : i32
    %dma_wait3A_790 = tpu.memref_slice %arg6[%dma_wait3A_789] : memref<13312xf32, #tpu.memory_space<vmem>> -> memref<6656xf32, #tpu.memory_space<vmem>>
    %dma_wait3A_791 = arith.constant 0 : i32
    %dma_wait3A_792 = tpu.memref_slice %arg5[%dma_wait3A_791] : memref<13312xi32, #tpu.memory_space<vmem>> -> memref<6656xi32, #tpu.memory_space<vmem>>
    %dma_wait3A_793 = arith.constant 0 : i32
    %dma_wait3A_794 = tpu.memref_slice %arg12[%dma_wait3A_793] : memref<1000000xf32, #tpu.memory_space<vmem_shared>> -> memref<1000000xf32, #tpu.memory_space<vmem_shared>>
    tpu.wait_indirect_dma semaphore(%arg13 : memref<!tpu.dma_semaphore, #tpu.memory_space<semaphore_mem>>) src(%dma_wait3A_794 : memref<1000000xf32, #tpu.memory_space<vmem_shared>>) dst(%dma_wait3A_790 : memref<6656xf32, #tpu.memory_space<vmem>>)
    %scan3A = arith.constant 0 : i32
    %scan3A_795 = arith.constant 0 : i32
    %scan3A_796 = arith.constant 32 : i32
    %scan3A_797 = arith.addi %scan3A_795, %scan3A_796 : i32
    %scan3A_798 = arith.constant 1 : i32
    %scan3A_799 = scf.for %scan3A_816 = %scan3A_795 to %scan3A_797 step %scan3A_798 iter_args(%scan3A_817 = %scan3A) -> (i32)  : i32 {
      %mul3A_818 = arith.constant 16 : i32
      %mul3A_819 = arith.muli %scan3A_816, %mul3A_818 : i32
      %get3A = arith.index_cast %mul3A_819 : i32 to index
      %get3A_820 = tpu.vector_load %arg6[%get3A] {strides = array<i32>} : memref<13312xf32, #tpu.memory_space<vmem>>, vector<16xf32>,
      %get3A_821 = vector.shape_cast %get3A_820 : vector<16xf32> to vector<16xf32>
      %add3A_822 = arith.constant 512 : i32
      %add3A_823 = arith.addi %add3A_822, %mul3A_819 : i32
      %get3A_824 = arith.index_cast %add3A_823 : i32 to index
      %get3A_825 = tpu.vector_load %arg6[%get3A_824] {strides = array<i32>} : memref<13312xf32, #tpu.memory_space<vmem>>, vector<16xf32>,
      %get3A_826 = vector.shape_cast %get3A_825 : vector<16xf32> to vector<16xf32>
      %add3A_827 = arith.addf %get3A_821, %get3A_826 : vector<16xf32>
      %add3A_828 = arith.constant 1024 : i32
      %add3A_829 = arith.addi %add3A_828, %mul3A_819 : i32
      %get3A_830 = arith.index_cast %add3A_829 : i32 to index
      %get3A_831 = tpu.vector_load %arg6[%get3A_830] {strides = array<i32>} : memref<13312xf32, #tpu.memory_space<vmem>>, vector<16xf32>,
      %get3A_832 = vector.shape_cast %get3A_831 : vector<16xf32> to vector<16xf32>
      %add3A_833 = arith.addf %add3A_827, %get3A_832 : vector<16xf32>
      %add3A_834 = arith.constant 1536 : i32
      %add3A_835 = arith.addi %add3A_834, %mul3A_819 : i32
      %get3A_836 = arith.index_cast %add3A_835 : i32 to index
      %get3A_837 = tpu.vector_load %arg6[%get3A_836] {strides = array<i32>} : memref<13312xf32, #tpu.memory_space<vmem>>, vector<16xf32>,
      %get3A_838 = vector.shape_cast %get3A_837 : vector<16xf32> to vector<16xf32>
      %add3A_839 = arith.addf %add3A_833, %get3A_838 : vector<16xf32>
      %add3A_840 = arith.constant 2048 : i32
      %add3A_841 = arith.addi %add3A_840, %mul3A_819 : i32
      %get3A_842 = arith.index_cast %add3A_841 : i32 to index
      %get3A_843 = tpu.vector_load %arg6[%get3A_842] {strides = array<i32>} : memref<13312xf32, #tpu.memory_space<vmem>>, vector<16xf32>,
      %get3A_844 = vector.shape_cast %get3A_843 : vector<16xf32> to vector<16xf32>
      %add3A_845 = arith.addf %add3A_839, %get3A_844 : vector<16xf32>
      %add3A_846 = arith.constant 2560 : i32
      %add3A_847 = arith.addi %add3A_846, %mul3A_819 : i32
      %get3A_848 = arith.index_cast %add3A_847 : i32 to index
      %get3A_849 = tpu.vector_load %arg6[%get3A_848] {strides = array<i32>} : memref<13312xf32, #tpu.memory_space<vmem>>, vector<16xf32>,
      %get3A_850 = vector.shape_cast %get3A_849 : vector<16xf32> to vector<16xf32>
      %add3A_851 = arith.addf %add3A_845, %get3A_850 : vector<16xf32>
      %add3A_852 = arith.constant 3072 : i32
      %add3A_853 = arith.addi %add3A_852, %mul3A_819 : i32
      %get3A_854 = arith.index_cast %add3A_853 : i32 to index
      %get3A_855 = tpu.vector_load %arg6[%get3A_854] {strides = array<i32>} : memref<13312xf32, #tpu.memory_space<vmem>>, vector<16xf32>,
      %get3A_856 = vector.shape_cast %get3A_855 : vector<16xf32> to vector<16xf32>
      %add3A_857 = arith.addf %add3A_851, %get3A_856 : vector<16xf32>
      %add3A_858 = arith.constant 3584 : i32
      %add3A_859 = arith.addi %add3A_858, %mul3A_819 : i32
      %get3A_860 = arith.index_cast %add3A_859 : i32 to index
      %get3A_861 = tpu.vector_load %arg6[%get3A_860] {strides = array<i32>} : memref<13312xf32, #tpu.memory_space<vmem>>, vector<16xf32>,
      %get3A_862 = vector.shape_cast %get3A_861 : vector<16xf32> to vector<16xf32>
      %add3A_863 = arith.addf %add3A_857, %get3A_862 : vector<16xf32>
      %add3A_864 = arith.constant 4096 : i32
      %add3A_865 = arith.addi %add3A_864, %mul3A_819 : i32
      %get3A_866 = arith.index_cast %add3A_865 : i32 to index
      %get3A_867 = tpu.vector_load %arg6[%get3A_866] {strides = array<i32>} : memref<13312xf32, #tpu.memory_space<vmem>>, vector<16xf32>,
      %get3A_868 = vector.shape_cast %get3A_867 : vector<16xf32> to vector<16xf32>
      %add3A_869 = arith.addf %add3A_863, %get3A_868 : vector<16xf32>
      %add3A_870 = arith.constant 4608 : i32
      %add3A_871 = arith.addi %add3A_870, %mul3A_819 : i32
      %get3A_872 = arith.index_cast %add3A_871 : i32 to index
      %get3A_873 = tpu.vector_load %arg6[%get3A_872] {strides = array<i32>} : memref<13312xf32, #tpu.memory_space<vmem>>, vector<16xf32>,
      %get3A_874 = vector.shape_cast %get3A_873 : vector<16xf32> to vector<16xf32>
      %add3A_875 = arith.addf %add3A_869, %get3A_874 : vector<16xf32>
      %add3A_876 = arith.constant 5120 : i32
      %add3A_877 = arith.addi %add3A_876, %mul3A_819 : i32
      %get3A_878 = arith.index_cast %add3A_877 : i32 to index
      %get3A_879 = tpu.vector_load %arg6[%get3A_878] {strides = array<i32>} : memref<13312xf32, #tpu.memory_space<vmem>>, vector<16xf32>,
      %get3A_880 = vector.shape_cast %get3A_879 : vector<16xf32> to vector<16xf32>
      %add3A_881 = arith.addf %add3A_875, %get3A_880 : vector<16xf32>
      %add3A_882 = arith.constant 5632 : i32
      %add3A_883 = arith.addi %add3A_882, %mul3A_819 : i32
      %get3A_884 = arith.index_cast %add3A_883 : i32 to index
      %get3A_885 = tpu.vector_load %arg6[%get3A_884] {strides = array<i32>} : memref<13312xf32, #tpu.memory_space<vmem>>, vector<16xf32>,
      %get3A_886 = vector.shape_cast %get3A_885 : vector<16xf32> to vector<16xf32>
      %add3A_887 = arith.addf %add3A_881, %get3A_886 : vector<16xf32>
      %add3A_888 = arith.constant 6144 : i32
      %add3A_889 = arith.addi %add3A_888, %mul3A_819 : i32
      %get3A_890 = arith.index_cast %add3A_889 : i32 to index
      %get3A_891 = tpu.vector_load %arg6[%get3A_890] {strides = array<i32>} : memref<13312xf32, #tpu.memory_space<vmem>>, vector<16xf32>,
      %get3A_892 = vector.shape_cast %get3A_891 : vector<16xf32> to vector<16xf32>
      %add3A_893 = arith.addf %add3A_887, %get3A_892 : vector<16xf32>
      %swap3A = arith.index_cast %mul3A_819 : i32 to index
      %swap3A_894 = tpu.vector_load %arg7[%swap3A] {strides = array<i32>} : memref<512xf32, #tpu.memory_space<vmem>>, vector<16xf32>,
      %swap3A_895 = vector.shape_cast %swap3A_894 : vector<16xf32> to vector<16xf32>
      %swap3A_896 = vector.shape_cast %add3A_893 : vector<16xf32> to vector<16xf32>
      tpu.vector_store %arg7[%swap3A], %swap3A_896 {strides = array<i32>} : memref<512xf32, #tpu.memory_space<vmem>>, vector<16xf32>,
      %scan3A_897 = arith.constant 0 : i32
      scf.yield %scan3A_897 : i32
    }
    %scan3A_800 = arith.constant 32 : i32
    %dma_wait3A_801 = arith.constant 6656 : i32
    %dma_wait3A_802 = tpu.memref_slice %arg6[%dma_wait3A_801] : memref<13312xf32, #tpu.memory_space<vmem>> -> memref<6656xf32, #tpu.memory_space<vmem>>
    %dma_wait3A_803 = arith.constant 6656 : i32
    %dma_wait3A_804 = tpu.memref_slice %arg5[%dma_wait3A_803] : memref<13312xi32, #tpu.memory_space<vmem>> -> memref<6656xi32, #tpu.memory_space<vmem>>
    %dma_wait3A_805 = arith.constant 0 : i32
    %dma_wait3A_806 = tpu.memref_slice %arg12[%dma_wait3A_805] : memref<1000000xf32, #tpu.memory_space<vmem_shared>> -> memref<1000000xf32, #tpu.memory_space<vmem_shared>>
    tpu.wait_indirect_dma semaphore(%arg14 : memref<!tpu.dma_semaphore, #tpu.memory_space<semaphore_mem>>) src(%dma_wait3A_806 : memref<1000000xf32, #tpu.memory_space<vmem_shared>>) dst(%dma_wait3A_802 : memref<6656xf32, #tpu.memory_space<vmem>>)
    %scan3A_807 = arith.constant 0 : i32
    %scan3A_808 = arith.constant 0 : i32
    %scan3A_809 = arith.constant 32 : i32
    %scan3A_810 = arith.addi %scan3A_808, %scan3A_809 : i32
    %scan3A_811 = arith.constant 1 : i32
    %scan3A_812 = scf.for %scan3A_816 = %scan3A_808 to %scan3A_810 step %scan3A_811 iter_args(%scan3A_817 = %scan3A_807) -> (i32)  : i32 {
      %mul3A_818 = arith.constant 16 : i32
      %mul3A_819 = arith.muli %scan3A_816, %mul3A_818 : i32
      %get3A = arith.index_cast %mul3A_819 : i32 to index
      %get3A_820 = tpu.vector_load %arg7[%get3A] {strides = array<i32>} : memref<512xf32, #tpu.memory_space<vmem>>, vector<16xf32>,
      %get3A_821 = vector.shape_cast %get3A_820 : vector<16xf32> to vector<16xf32>
      %add3A_822 = arith.constant 6656 : i32
      %add3A_823 = arith.addi %add3A_822, %mul3A_819 : i32
      %get3A_824 = arith.index_cast %add3A_823 : i32 to index
      %get3A_825 = tpu.vector_load %arg6[%get3A_824] {strides = array<i32>} : memref<13312xf32, #tpu.memory_space<vmem>>, vector<16xf32>,
      %get3A_826 = vector.shape_cast %get3A_825 : vector<16xf32> to vector<16xf32>
      %add3A_827 = arith.addf %get3A_821, %get3A_826 : vector<16xf32>
      %add3A_828 = arith.constant 7168 : i32
      %add3A_829 = arith.addi %add3A_828, %mul3A_819 : i32
      %get3A_830 = arith.index_cast %add3A_829 : i32 to index
      %get3A_831 = tpu.vector_load %arg6[%get3A_830] {strides = array<i32>} : memref<13312xf32, #tpu.memory_space<vmem>>, vector<16xf32>,
      %get3A_832 = vector.shape_cast %get3A_831 : vector<16xf32> to vector<16xf32>
      %add3A_833 = arith.addf %add3A_827, %get3A_832 : vector<16xf32>
      %add3A_834 = arith.constant 7680 : i32
      %add3A_835 = arith.addi %add3A_834, %mul3A_819 : i32
      %get3A_836 = arith.index_cast %add3A_835 : i32 to index
      %get3A_837 = tpu.vector_load %arg6[%get3A_836] {strides = array<i32>} : memref<13312xf32, #tpu.memory_space<vmem>>, vector<16xf32>,
      %get3A_838 = vector.shape_cast %get3A_837 : vector<16xf32> to vector<16xf32>
      %add3A_839 = arith.addf %add3A_833, %get3A_838 : vector<16xf32>
      %add3A_840 = arith.constant 8192 : i32
      %add3A_841 = arith.addi %add3A_840, %mul3A_819 : i32
      %get3A_842 = arith.index_cast %add3A_841 : i32 to index
      %get3A_843 = tpu.vector_load %arg6[%get3A_842] {strides = array<i32>} : memref<13312xf32, #tpu.memory_space<vmem>>, vector<16xf32>,
      %get3A_844 = vector.shape_cast %get3A_843 : vector<16xf32> to vector<16xf32>
      %add3A_845 = arith.addf %add3A_839, %get3A_844 : vector<16xf32>
      %add3A_846 = arith.constant 8704 : i32
      %add3A_847 = arith.addi %add3A_846, %mul3A_819 : i32
      %get3A_848 = arith.index_cast %add3A_847 : i32 to index
      %get3A_849 = tpu.vector_load %arg6[%get3A_848] {strides = array<i32>} : memref<13312xf32, #tpu.memory_space<vmem>>, vector<16xf32>,
      %get3A_850 = vector.shape_cast %get3A_849 : vector<16xf32> to vector<16xf32>
      %add3A_851 = arith.addf %add3A_845, %get3A_850 : vector<16xf32>
      %add3A_852 = arith.constant 9216 : i32
      %add3A_853 = arith.addi %add3A_852, %mul3A_819 : i32
      %get3A_854 = arith.index_cast %add3A_853 : i32 to index
      %get3A_855 = tpu.vector_load %arg6[%get3A_854] {strides = array<i32>} : memref<13312xf32, #tpu.memory_space<vmem>>, vector<16xf32>,
      %get3A_856 = vector.shape_cast %get3A_855 : vector<16xf32> to vector<16xf32>
      %add3A_857 = arith.addf %add3A_851, %get3A_856 : vector<16xf32>
      %add3A_858 = arith.constant 9728 : i32
      %add3A_859 = arith.addi %add3A_858, %mul3A_819 : i32
      %get3A_860 = arith.index_cast %add3A_859 : i32 to index
      %get3A_861 = tpu.vector_load %arg6[%get3A_860] {strides = array<i32>} : memref<13312xf32, #tpu.memory_space<vmem>>, vector<16xf32>,
      %get3A_862 = vector.shape_cast %get3A_861 : vector<16xf32> to vector<16xf32>
      %add3A_863 = arith.addf %add3A_857, %get3A_862 : vector<16xf32>
      %add3A_864 = arith.constant 10240 : i32
      %add3A_865 = arith.addi %add3A_864, %mul3A_819 : i32
      %get3A_866 = arith.index_cast %add3A_865 : i32 to index
      %get3A_867 = tpu.vector_load %arg6[%get3A_866] {strides = array<i32>} : memref<13312xf32, #tpu.memory_space<vmem>>, vector<16xf32>,
      %get3A_868 = vector.shape_cast %get3A_867 : vector<16xf32> to vector<16xf32>
      %add3A_869 = arith.addf %add3A_863, %get3A_868 : vector<16xf32>
      %add3A_870 = arith.constant 10752 : i32
      %add3A_871 = arith.addi %add3A_870, %mul3A_819 : i32
      %get3A_872 = arith.index_cast %add3A_871 : i32 to index
      %get3A_873 = tpu.vector_load %arg6[%get3A_872] {strides = array<i32>} : memref<13312xf32, #tpu.memory_space<vmem>>, vector<16xf32>,
      %get3A_874 = vector.shape_cast %get3A_873 : vector<16xf32> to vector<16xf32>
      %add3A_875 = arith.addf %add3A_869, %get3A_874 : vector<16xf32>
      %add3A_876 = arith.constant 11264 : i32
      %add3A_877 = arith.addi %add3A_876, %mul3A_819 : i32
      %get3A_878 = arith.index_cast %add3A_877 : i32 to index
      %get3A_879 = tpu.vector_load %arg6[%get3A_878] {strides = array<i32>} : memref<13312xf32, #tpu.memory_space<vmem>>, vector<16xf32>,
      %get3A_880 = vector.shape_cast %get3A_879 : vector<16xf32> to vector<16xf32>
      %add3A_881 = arith.addf %add3A_875, %get3A_880 : vector<16xf32>
      %add3A_882 = arith.constant 11776 : i32
      %add3A_883 = arith.addi %add3A_882, %mul3A_819 : i32
      %get3A_884 = arith.index_cast %add3A_883 : i32 to index
      %get3A_885 = tpu.vector_load %arg6[%get3A_884] {strides = array<i32>} : memref<13312xf32, #tpu.memory_space<vmem>>, vector<16xf32>,
      %get3A_886 = vector.shape_cast %get3A_885 : vector<16xf32> to vector<16xf32>
      %add3A_887 = arith.addf %add3A_881, %get3A_886 : vector<16xf32>
      %add3A_888 = arith.constant 12288 : i32
      %add3A_889 = arith.addi %add3A_888, %mul3A_819 : i32
      %get3A_890 = arith.index_cast %add3A_889 : i32 to index
      %get3A_891 = tpu.vector_load %arg6[%get3A_890] {strides = array<i32>} : memref<13312xf32, #tpu.memory_space<vmem>>, vector<16xf32>,
      %get3A_892 = vector.shape_cast %get3A_891 : vector<16xf32> to vector<16xf32>
      %add3A_893 = arith.addf %add3A_887, %get3A_892 : vector<16xf32>
      %add3A_894 = arith.constant 12800 : i32
      %add3A_895 = arith.addi %add3A_894, %mul3A_819 : i32
      %get3A_896 = arith.index_cast %add3A_895 : i32 to index
      %get3A_897 = tpu.vector_load %arg6[%get3A_896] {strides = array<i32>} : memref<13312xf32, #tpu.memory_space<vmem>>, vector<16xf32>,
      %get3A_898 = vector.shape_cast %get3A_897 : vector<16xf32> to vector<16xf32>
      %add3A_899 = arith.addf %add3A_893, %get3A_898 : vector<16xf32>
      %swap3A = arith.index_cast %mul3A_819 : i32 to index
      %swap3A_900 = tpu.vector_load %arg7[%swap3A] {strides = array<i32>} : memref<512xf32, #tpu.memory_space<vmem>>, vector<16xf32>,
      %swap3A_901 = vector.shape_cast %swap3A_900 : vector<16xf32> to vector<16xf32>
      %swap3A_902 = vector.shape_cast %add3A_899 : vector<16xf32> to vector<16xf32>
      tpu.vector_store %arg7[%swap3A], %swap3A_902 {strides = array<i32>} : memref<512xf32, #tpu.memory_space<vmem>>, vector<16xf32>,
      %scan3A_903 = arith.constant 0 : i32
      scf.yield %scan3A_903 : i32
    }
    %scan3A_813 = arith.constant 32 : i32
    %mul3A_814 = arith.constant 512 : i32
    %mul3A_815 = arith.muli %add3A, %mul3A_814 : i32
    %run_scoped3A = arith.constant 0 : i32
    "tpu.region"() ({
      %run_scoped3A_816 = tpu.sem_alloc : memref<!tpu.dma_semaphore, #tpu.memory_space<semaphore_mem>>
      %dma_start3A_817 = arith.constant 0 : i32
      %dma_start3A_818 = tpu.memref_slice %arg4[%run_scoped3A, %dma_start3A_817] : memref<1x16384xf32, #tpu.memory_space<hbm>> -> memref<1x16384xf32, #tpu.memory_space<hbm>>
      %dma_start3A_819 = tpu.memref_squeeze %dma_start3A_818 : memref<1x16384xf32, #tpu.memory_space<hbm>> -> memref<16384xf32, #tpu.memory_space<hbm>>
      %dma_start3A_820 = tpu.memref_slice %dma_start3A_819[%mul3A_815] : memref<16384xf32, #tpu.memory_space<hbm>> -> memref<512xf32, #tpu.memory_space<hbm>>
      %dma_start3A_821 = arith.constant 0 : i32
      %dma_start3A_822 = tpu.memref_slice %arg4[%run_scoped3A, %dma_start3A_821] : memref<1x16384xf32, #tpu.memory_space<hbm>> -> memref<1x16384xf32, #tpu.memory_space<hbm>>
      %dma_start3A_823 = tpu.memref_squeeze %dma_start3A_822 : memref<1x16384xf32, #tpu.memory_space<hbm>> -> memref<16384xf32, #tpu.memory_space<hbm>>
      %dma_start3A_824 = tpu.memref_slice %dma_start3A_823[%mul3A_815] : memref<16384xf32, #tpu.memory_space<hbm>> -> memref<512xf32, #tpu.memory_space<hbm>>
      tpu.enqueue_dma source(%arg7 : memref<512xf32, #tpu.memory_space<vmem>>) target(%dma_start3A_824 : memref<512xf32, #tpu.memory_space<hbm>>) target_semaphore(%run_scoped3A_816 : memref<!tpu.dma_semaphore, #tpu.memory_space<semaphore_mem>>)
      %dma_wait3A_825 = arith.constant 0 : i32
      %dma_wait3A_826 = tpu.memref_slice %arg4[%run_scoped3A, %dma_wait3A_825] : memref<1x16384xf32, #tpu.memory_space<hbm>> -> memref<1x16384xf32, #tpu.memory_space<hbm>>
      %dma_wait3A_827 = tpu.memref_squeeze %dma_wait3A_826 : memref<1x16384xf32, #tpu.memory_space<hbm>> -> memref<16384xf32, #tpu.memory_space<hbm>>
      %dma_wait3A_828 = tpu.memref_slice %dma_wait3A_827[%mul3A_815] : memref<16384xf32, #tpu.memory_space<hbm>> -> memref<512xf32, #tpu.memory_space<hbm>>
      %dma_wait3A_829 = arith.constant 0 : i32
      %dma_wait3A_830 = tpu.memref_slice %arg4[%run_scoped3A, %dma_wait3A_829] : memref<1x16384xf32, #tpu.memory_space<hbm>> -> memref<1x16384xf32, #tpu.memory_space<hbm>>
      %dma_wait3A_831 = tpu.memref_squeeze %dma_wait3A_830 : memref<1x16384xf32, #tpu.memory_space<hbm>> -> memref<16384xf32, #tpu.memory_space<hbm>>
      %dma_wait3A_832 = tpu.memref_slice %dma_wait3A_831[%mul3A_815] : memref<16384xf32, #tpu.memory_space<hbm>> -> memref<512xf32, #tpu.memory_space<hbm>>
      tpu.wait_dma2 semaphore(%run_scoped3A_816 : memref<!tpu.dma_semaphore, #tpu.memory_space<semaphore_mem>>) src(%arg7 : memref<512xf32, #tpu.memory_space<vmem>>) dst(%dma_wait3A_832 : memref<512xf32, #tpu.memory_space<hbm>>)
      tpu.yield
    }) : () -> ()
    return
  }
}

module attributes {stable_mosaic.version = 14 : i64} {
  func.func @body(%arg0: i32, %arg1: memref<26x16x2048xf32, #tpu.memory_space<vmem>>, %arg2: memref<1x2048xf32, #tpu.memory_space<vmem>>) attributes {dimension_semantics = [#tpu.dimension_semantics<arbitrary>], iteration_bounds = array<i64: 8>, scalar_prefetch = 0 : i64, scratch_operands = 0 : i64, tpu.core_type = #tpu.core_type<tc>, window_params = [{transform_indices = @transform_0, window_bounds = array<i64: 26, 16, 2048>}, {transform_indices = @transform_1, window_bounds = array<i64: 1, 2048>}]} {
    %get3A = arith.constant 0 : index
    %get3A_0 = arith.constant 0 : index
    %get3A_1 = arith.constant 0 : index
    %get3A_2 = vector.load %arg1[%get3A, %get3A_0, %get3A_1] : memref<26x16x2048xf32, #tpu.memory_space<vmem>>, vector<26x16x2048xf32>
    %reduce_sum3A = arith.constant dense<0.000000e+00> : vector<16x2048xf32>
    %reduce_sum3A_3 = vector.multi_reduction <add>, %get3A_2, %reduce_sum3A [0] : vector<26x16x2048xf32> to vector<16x2048xf32>
    %mul3A = arith.mulf %reduce_sum3A_3, %reduce_sum3A_3 : vector<16x2048xf32>
    %reduce_sum3A_4 = arith.constant dense<0.000000e+00> : vector<2048xf32>
    %reduce_sum3A_5 = vector.multi_reduction <add>, %mul3A, %reduce_sum3A_4 [0] : vector<16x2048xf32> to vector<2048xf32>
    %broadcast_in_dim3A = vector.shape_cast %reduce_sum3A_5 : vector<2048xf32> to vector<1x2048xf32>
    %mul3A_6 = arith.mulf %get3A_2, %get3A_2 : vector<26x16x2048xf32>
    %reduce_sum3A_7 = arith.constant dense<0.000000e+00> : vector<16x2048xf32>
    %reduce_sum3A_8 = vector.multi_reduction <add>, %mul3A_6, %reduce_sum3A_7 [0] : vector<26x16x2048xf32> to vector<16x2048xf32>
    %reduce_sum3A_9 = arith.constant dense<0.000000e+00> : vector<2048xf32>
    %reduce_sum3A_10 = vector.multi_reduction <add>, %reduce_sum3A_8, %reduce_sum3A_9 [0] : vector<16x2048xf32> to vector<2048xf32>
    %broadcast_in_dim3A_11 = vector.shape_cast %reduce_sum3A_10 : vector<2048xf32> to vector<1x2048xf32>
    %sub3A = arith.subf %broadcast_in_dim3A, %broadcast_in_dim3A_11 : vector<1x2048xf32>
    %mul3A_12 = arith.constant 5.000000e-01 : f32
    %mul3A_13 = vector.broadcast %mul3A_12 : f32 to vector<1x2048xf32>
    %mul3A_14 = arith.mulf %mul3A_13, %sub3A : vector<1x2048xf32>
    %swap3A = arith.constant 0 : index
    %swap3A_15 = arith.constant 0 : index
    %swap3A_16 = vector.load %arg2[%swap3A, %swap3A_15] : memref<1x2048xf32, #tpu.memory_space<vmem>>, vector<1x2048xf32>
    tpu.vector_store %arg2[%swap3A, %swap3A_15], %mul3A_14 {strides = array<i32>} : memref<1x2048xf32, #tpu.memory_space<vmem>>, vector<1x2048xf32>,
    return
  }
  func.func @transform_0(%arg0: i32) -> (i32, i32, i32) {
    %c0_i32 = arith.constant 0 : i32
    %c0_i32_0 = arith.constant 0 : i32
    %c0_i32_1 = arith.constant 0 : i32
    return %c0_i32, %c0_i32_0, %arg0 : i32, i32, i32
  }
  func.func @transform_1(%arg0: i32) -> (i32, i32) {
    %c0_i32 = arith.constant 0 : i32
    %c0_i32_0 = arith.constant 0 : i32
    return %c0_i32, %arg0 : i32, i32
  }
}

module attributes {stable_mosaic.version = 14 : i64} {
  func.func @body(%arg0: memref<1x16384xf32, #tpu.memory_space<vmem>>, %arg1: memref<1x16384xf32, #tpu.memory_space<vmem>>, %arg2: memref<1x16384xf32, #tpu.memory_space<vmem>>) attributes {dimension_semantics = [], scalar_prefetch = 0 : i64, scratch_operands = 0 : i64, tpu.core_type = #tpu.core_type<tc>} {
    %get3A = arith.constant 0 : index
    %get3A_0 = arith.constant 0 : index
    %get3A_1 = vector.load %arg0[%get3A, %get3A_0] : memref<1x16384xf32, #tpu.memory_space<vmem>>, vector<1x16384xf32>
    %get3A_2 = arith.constant 0 : index
    %get3A_3 = arith.constant 0 : index
    %get3A_4 = vector.load %arg1[%get3A_2, %get3A_3] : memref<1x16384xf32, #tpu.memory_space<vmem>>, vector<1x16384xf32>
    %add3A = arith.addf %get3A_1, %get3A_4 : vector<1x16384xf32>
    %swap3A = arith.constant 0 : index
    %swap3A_5 = arith.constant 0 : index
    %swap3A_6 = vector.load %arg2[%swap3A, %swap3A_5] : memref<1x16384xf32, #tpu.memory_space<vmem>>, vector<1x16384xf32>
    tpu.vector_store %arg2[%swap3A, %swap3A_5], %add3A {strides = array<i32>} : memref<1x16384xf32, #tpu.memory_space<vmem>>, vector<1x16384xf32>,
    return
  }
}

</mosaic_0001>

<sc_bundles>
// kernel: kernel.5.cloned.1.call-start
scs
__scs_entry_jumppad:
0x0: {  	(pc) =	sbr.rel $0x88, $3  }
0x1: {  	(tag) =	ssettag $0x0;
	lr =	simm.s32 $0x1  }
0x2: {  	[smem:$0x3F9E] =	sst lr;
	_ =	strace $0xD0000000  }
0x3: {  	_ = 	snop  }
0x4: {  	_ = 	snop  }
0x5: {  	_ = 	snop  }
0x6: {  	_ = 	snop  }
0x7: {  	_ = 	snop  }
__scs_overlays_trampoline_lowered:
0x8: {  	[smem:$0x3FAD] =	sst s0  }
0x9: {  	[smem:$0x3FAE] =	sst s1  }
0xa: {  	[smem:$0x3FAF] =	sst s2  }
0xb: {  	[smem:$0x3FB0] =	sst s3  }
0xc: {  	[smem:$0x3FB1] =	sst s4  }
0xd: {  	[smem:$0x3FB2] =	sst s5  }
0xe: {  	[smem:$0x3FB3] =	sst s6  }
0xf: {  	[smem:$0x3FB4] =	sst s7  }
0x10: {  	[smem:$0x3FB5] =	sst s8  }
0x11: {  	[smem:$0x3FB6] =	sst s9;
	s0 =	simm.s32 @!p0 $0x0  }
0x12: {  	s1 =	sld [smem:$0x3F9C];
	s0 =	simm.s32 @p0 $0x1  }
0x13: {  	[smem:$0x3FB7] =	sst s0;
	s0 =	simm.s32 @!p1 $0x0  }
0x14: {  	s2 =	sld [smem:$0x3F9B];
	s0 =	simm.s32 @p1 $0x1  }
0x15: {  	[smem:$0x3FB8] =	sst s0;
	s0 =	simm.s32 @!p2 $0x0  }
0x16: {  	s3 =	sld [smem:$0x3FDB];
	s0 =	simm.s32 @p2 $0x1  }
0x17: {  	s4 =	simm.s32 $0x1BF5;
	[smem:$0x3FBA] =	sst s0  }
0x18: {  	s0 =	sld [smem:$0x3F9D];
	_ =	swait.ge [sflag:s4], $0x0  }
0x19: {  	s7 =	sld [smem:$0x3F9E]  }
0x1a: {  	s8 =	sadd.s32 $0xFFFFE003, lr  }
0x1b: {  	s9 =	sadd.s32 $0xFFFFFEF7, lr;
	s5 =	simm.s32 $0xFFFFFFFF;
	p2 =	slt.u32 s8, $0xFFFFF086  }
0x1c: {  	p1 =	slt.u32 s9, $0xF7A;
	s5 =	simm.s32 @!p2 $0x0  }
0x1d: {  	s5 =	simm.s32 @p1 $0x1;
	p0 =	seq.s32 s7, s2  }
0x1e: {  	s7 =	smul.u32 @!p0 $0xF7A, s2;
	p2 =	seq.s32 @!p0 s5, $0x0  }
0x1f: {  	s9 =	smul.u32 $0xF7A, s1;
	s8 =	simm.s32 @!p0 $0x1BF5;
	p2 =	por !p2, p0  }
0x20: {  	[sflag:s8] =	ssyncset.s32 @!p0 $0xFFFFF086;
	s6 =	sadd.s32 @!p0 s3, s7;
	s7 =	simm.s32 @!p0 $0x108  }
0x21: {  	s3 =	sadd.s32 s3, s9;
	s6 =	sadd.s32 @!p0 $0x88, s6;
	s7 =	simm.s32 @p2 $0x1082  }
0x22: {  	[simem:s7], [sflag:s8] =	dma.local @!p0 [hbm:s6], $0xF7A  }
0x23: {  	s9 =	sor.u32 $0xD0000000, s2;
	s6 =	simm.s32 $0x108;
	_ =	swait.ge @!p0 [sflag:s8], $0x0  }
0x24: {  	s3 =	sadd.s32 $0x88, s3;
	s6 =	simm.s32 @!p1 $0x1082;
	[sflag:s4] =	ssyncset.s32 $0xFFFFF086  }
0x25: {  	[simem:s6], [sflag:s4] =	dma.local [hbm:s3], $0xF7A  }
0x26: {  	[smem:$0x3F9E] =	sst s1;
	(tag) =	ssettag s2;
	_ =	strace s9  }
0x27: {  	s1 =	sld [smem:$0x3FAE]  }
0x28: {  	s2 =	sld [smem:$0x3FAF]  }
0x29: {  	s4 =	sld [smem:$0x3FB1]  }
0x2a: {  	p0 =	seq.s32 s5, $0x0;
	s5 =	sld [smem:$0x3FB2]  }
0x2b: {  	s6 =	sld [smem:$0x3FB3]  }
0x2c: {  	s7 =	sld [smem:$0x3FB4]  }
0x2d: {  	s3 =	simm.s32 $0x108;
	s8 =	sld [smem:$0x3FB5]  }
0x2e: {  	s3 =	simm.s32 @!p0 $0x1082;
	s9 =	sld [smem:$0x3FB6]  }
0x2f: {  	lr =	sadd.s32 s0, s3;
	s0 =	sld [smem:$0x3FAD]  }
0x30: {  	s3 =	sld [smem:$0x3FB0]  }
0x31: {  	[smem:$0x3FB9] =	sst s10  }
0x32: {  	s10 =	sld [smem:$0x3FB7];
	_ =	sdelay $0x3  }
0x33: {  	p0 =	seq.s32 s10, $0x1;
	s10 =	sld [smem:$0x3FB9];
	_ =	sdelay $0x3  }
0x34: {  	[smem:$0x3FB9] =	sst s10  }
0x35: {  	s10 =	sld [smem:$0x3FB8];
	_ =	sdelay $0x3  }
0x36: {  	p1 =	seq.s32 s10, $0x1;
	s10 =	sld [smem:$0x3FB9];
	_ =	sdelay $0x3  }
0x37: {  	[smem:$0x3FB9] =	sst s10  }
0x38: {  	s10 =	sld [smem:$0x3FBA]  }
0x39: {  	_ = 	snop;
	(pc) =	sbr.ind lr, $3  }
0x3a: {  	_ = 	snop  }
0x3b: {  	_ = 	snop  }
0x3c: {  	p2 =	seq.s32 s10, $0x1;
	s10 =	sld [smem:$0x3FB9]  }
0x3d: {  	_ =	shalt  }
0x3e: {  	_ =	shalt  }
0x3f: {  	_ =	shalt  }
0x40: {  	_ =	shalt  }
0x41: {  	_ =	shalt  }
0x42: {  	_ =	shalt  }
0x43: {  	_ =	shalt  }
0x44: {  	_ =	shalt  }
0x45: {  	_ =	shalt  }
0x46: {  	_ =	shalt  }
0x47: {  	_ =	shalt  }
0x48: {  	_ =	shalt  }
0x49: {  	_ =	shalt  }
0x4a: {  	_ =	shalt  }
0x4b: {  	_ =	shalt  }
0x4c: {  	_ =	shalt  }
0x4d: {  	_ =	shalt  }
0x4e: {  	_ =	shalt  }
0x4f: {  	_ =	shalt  }
0x50: {  	_ =	shalt  }
0x51: {  	_ =	shalt  }
0x52: {  	_ =	shalt  }
0x53: {  	_ =	shalt  }
0x54: {  	_ =	shalt  }
0x55: {  	_ =	shalt  }
0x56: {  	_ =	shalt  }
0x57: {  	_ =	shalt  }
0x58: {  	_ =	shalt  }
0x59: {  	_ =	shalt  }
0x5a: {  	_ =	shalt  }
0x5b: {  	_ =	shalt  }
0x5c: {  	_ =	shalt  }
0x5d: {  	_ =	shalt  }
0x5e: {  	_ =	shalt  }
0x5f: {  	_ =	shalt  }
0x60: {  	_ =	shalt  }
0x61: {  	_ =	shalt  }
0x62: {  	_ =	shalt  }
0x63: {  	_ =	shalt  }
0x64: {  	_ =	shalt  }
0x65: {  	_ =	shalt  }
0x66: {  	_ =	shalt  }
0x67: {  	_ =	shalt  }
0x68: {  	_ =	shalt  }
0x69: {  	_ =	shalt  }
0x6a: {  	_ =	shalt  }
0x6b: {  	_ =	shalt  }
0x6c: {  	_ =	shalt  }
0x6d: {  	_ =	shalt  }
0x6e: {  	_ =	shalt  }
0x6f: {  	_ =	shalt  }
0x70: {  	_ =	shalt  }
0x71: {  	_ =	shalt  }
0x72: {  	_ =	shalt  }
0x73: {  	_ =	shalt  }
0x74: {  	_ =	shalt  }
0x75: {  	_ =	shalt  }
0x76: {  	_ =	shalt  }
0x77: {  	_ =	shalt  }
0x78: {  	_ =	shalt  }
0x79: {  	_ =	shalt  }
0x7a: {  	_ =	shalt  }
0x7b: {  	_ =	shalt  }
0x7c: {  	_ =	shalt  }
0x7d: {  	_ =	shalt  }
0x7e: {  	_ =	shalt  }
0x7f: {  	_ =	shalt  }
0x80: {  	_ =	shalt  }
0x81: {  	_ =	shalt  }
0x82: {  	_ =	shalt  }
0x83: {  	_ =	shalt  }
0x84: {  	_ =	shalt  }
0x85: {  	_ =	shalt  }
0x86: {  	_ =	shalt  }
0x87: {  	_ =	shalt  }
.Lfunc_end0:
.L_simem_size_0:
called_computation_lowered:
.L_overlay_start_0:
0x88: {  	s2 =	sld [smem:$0x3FD9]  }
0x89: {  	s3 =	sld [smem:$0x3FFE];
	_ =	sdelay $0x1  }
0x8a: {  	s1 =	srdreg.scid  }
0x8b: {  	s0 =	sand.u32 $0x1, s1  }
0x8c: {  	s17 =	sshll.u32 s0, $0xA;
	s2 =	sadd.s32 s3, s2  }
0x8d: {  	s2 =	sadd.s32 s2, s17  }
0x8e: {  	[smem:$0x3FC5] =	sst s2  }
0x8f: {  	_ = 	snop  }
0x90: {  	s2 =	sld [smem:$0x3FC7]  }
0x91: {  	s18 =	sld [smem:$0x3FD0];
	(tm) =	ssettm $0x1  }
0x92: {  	s4 =	sld [smem:$0x3FFB];
	_ =	sdelay $0x3  }
0x93: {  	_ =	strace s4  }
0x94: {  	s4 =	sld [smem:$0x3FFC];
	_ =	sdelay $0x3  }
0x95: {  	_ =	strace s4  }
0x96: {  	s4 =	sld [smem:$0x3FFD];
	_ =	sdelay $0x3  }
0x97: {  	_ =	strace s4  }
0x98: {  	_ =	strace $0x8FFFFFFF  }
0x99: {  	s19 =	sld [smem:$0x3FDB];
	_ =	sdelay $0x1  }
0x9a: {  	s5 =	simm.s32 $_scs_section_size  }
0x9b: {  	s6 =	simm.s32 $_size__tile_overlayer_lowered;
	s7 =	simm.s32 $_tile_overlayer_lowered  }
0x9c: {  	s22 =	simm.s32 $0x1BFF;
	s21 =	sshll.u32 s7, $0x1;
	s4 =	sadd.s32 s5, s19  }
0x9d: {  	s8 =	simm.s32 $0x0;
	s20 =	sshll.u32 s6, $0x1;
	s6 =	sadd.s32 s21, s4  }
0x9e: {  	[timem:s8], [sflag:s22] =	dma.local [hbm:s6], s20  }
0x9f: {  	_ =	swait.ge [sflag:s22], s20  }
0xa0: {  	s5 =	ssub.s32 $0x0, s20;
	[sflag:s22] =	ssyncset.done $0x0  }
0xa1: {  	[sflag:s22] =	ssyncadd.s32 s5;
	_ =	sdelay $0x1  }
0xa2: {  	s23 =	simm.s32 $0x1B8B  }
0xa3: {  	_ =	swait.ge [sflag:s23], $0x1  }
0xa4: {  	[sflag:s23] =	ssyncset.done $0x0  }
0xa5: {  	s25 =	simm.s32 $0x1B8E;
	s24 =	sld [smem:$0x3FFE];
	[sflag:s23] =	ssyncadd.s32 $0xFFFFFFFF  }
0xa6: {  	s26 =	simm.s32 $execute0_lowered;
	[smem:$0x3FD2] =	sst s25  }
0xa7: {  	s6 =	sshll.u32 s26, $0x1;
	_ =	strace $0x80000046;
	[dreg:$0x1] =	wrdreg $0xFFFFFFFF  }
0xa8: {  	s28 =	simm.s32 $_size_execute0_lowered;
	s4 =	sadd.s32 s4, s6;
	[dreg:$0x0] =	wrdreg $0x0  }
0xa9: {  	s6 =	sshll.u32 s28, $0x1;
	[dreg:$0x2] =	wrdreg s4  }
0xaa: {  	[dreg:$0x3] =	wrdreg s6  }
0xab: {  	[dreg:$0x4] =	wrdreg $0xC0  }
0xac: {  	_ =	task [dreg:s8], $0x5FFFF  }
0xad: {  	[dreg:$0x1] =	wrdreg $0xFFFFFFFF  }
0xae: {  	[dreg:$0x0] =	wrdreg $0x60  }
0xaf: {  	[dreg:$0x2] =	wrdreg s24  }
0xb0: {  	[dreg:$0x3] =	wrdreg s2  }
0xb1: {  	[dreg:$0x4] =	wrdreg s18  }
0xb2: {  	[dreg:$0x5] =	wrdreg $0xBC000  }
0xb3: {  	[dreg:$0x6] =	wrdreg $0x9  }
0xb4: {  	_ =	task.clear_ibuf [dreg:s8], $0x7FFFF;
	_ =	strace $0x90000046  }
0xb5: {  	s29 =	simm.s32 $0x9;
	_ =	strace $0x80000048  }
0xb6: {  	_ =	swait.ge [sflag:s29], $0x1  }
0xb7: {  	[sflag:s29] =	ssyncadd.s32 $0xFFFFFFFF  }
0xb8: {  	_ =	strace $0x90000048  }
0xb9: {  	_ =	sfence  }
0xba: {  	s30 =	sld [smem:$0x0];
	_ =	sdelay $0x2  }
0xbb: {  	s31 =	sshll.u32 s1, $0xD;
	s1 =	sshrl.u32 s1, $0x2  }
0xbc: {  	s3 =	sand.u32 $0x4000, s31;
	s1 =	sadd.s32 s1, s30  }
0xbd: {  	s0 =	sor.u32 s3, s0;
	s1 =	sshll.u32 s1, $0x11  }
0xbe: {  	s0 =	sor.u32 s1, s0  }
0xbf: {  	s0 =	sadd.s32 $0x8F2B, s0  }
0xc0: {  	[sflag:s0] =	ssyncadd.remote.s32 $0x1  }
0xc1: {  	_ =	sfence.sel $0xFFFF  }
0xc2: {  	[dreg:$0x0] =	wrdreg $0xFFFFFFFF;
	(pc) =	sbr.abs _section_cstart, $3  }
0xc3: {  	[dreg:$0x1] =	wrdreg $0xFFFFFFFF  }
0xc4: {  	_ =	task.clear_ibuf [dreg:s8], $0x2FFFF;
	_ =	strace $0x9FFFFFFF  }
0xc5: {  	(tm) =	ssettm $0x7FFFFFFF  }
tec
execute0_lowered:
.L_overlay_start_1:
0x0: {  	(tag) =	ssettag $0x1  }
0x1: {  	s3 =	rddreg [dreg:$0x0];
	s2 =	srdreg.scid  }
0x2: {  	s0 =	rddreg [dreg:$0x1];
	s5 =	stileid.u32;
	s6 =	sand.u32 $0x1, s2  }
0x3: {  	s4 =	rddreg [dreg:$0x2];
	s7 =	sshll.u32 s5, $0x7;
	s8 =	sshll.u32 s6, $0x6  }
0x4: {  	s1 =	rddreg [dreg:$0x3];
	s2 =	simm.s32 $0x0;
	s7 =	sor.u32 s8, s7  }
0x5: {  	[smem:$0x7FF] =	sst s2;
	s8 =	sadd.s32 s7, s3;
	s4 =	sadd.s32 s4, s7  }
0x6: {  	_ =	strace $0x80000047;
	s9 =	sadd.s32 $0x600, s8;
	[dreg:$0x16] =	wrdreg s4  }
0x7: {  	s10 =	sadd.s32 $0xE00, s8;
	[dreg:$0x5] =	wrdreg s9  }
0x8: {  	s11 =	sadd.s32 $0x1600, s8;
	[dreg:$0x6] =	wrdreg s10  }
0x9: {  	s12 =	sadd.s32 $0x1E00, s8;
	[dreg:$0x7] =	wrdreg s11  }
0xa: {  	s13 =	sadd.s32 $0x2600, s8;
	[dreg:$0x8] =	wrdreg s12  }
0xb: {  	s14 =	sadd.s32 $0x2E00, s8;
	[dreg:$0x9] =	wrdreg s13  }
0xc: {  	s15 =	sadd.s32 $0x3600, s8;
	[dreg:$0xa] =	wrdreg s14  }
0xd: {  	s16 =	sadd.s32 $0x3E00, s8;
	[dreg:$0xb] =	wrdreg s15  }
0xe: {  	s17 =	sadd.s32 $0x4600, s8;
	[dreg:$0xc] =	wrdreg s16  }
0xf: {  	s18 =	sadd.s32 $0x4E00, s8;
	[dreg:$0xd] =	wrdreg s17  }
0x10: {  	s29 =	simm.s32 $0x1A00;
	s19 =	sadd.s32 $0x5600, s8;
	[dreg:$0xe] =	wrdreg s18  }
0x11: {  	s30 =	simm.s32 $0x6A00;
	s20 =	sadd.s32 $0x5E00, s8;
	[dreg:$0xf] =	wrdreg s19  }
0x12: {  	s31 =	simm.s32 $0x7E80;
	s21 =	sadd.s32 $0x6600, s8;
	[dreg:$0x10] =	wrdreg s20  }
0x13: {  	p0 =	sne.s32 s5, $0x0;
	s22 =	sadd.s32 $0x6E00, s8;
	[dreg:$0x11] =	wrdreg s21  }
0x14: {  	s28 =	sadd.s32 $0xF4200, s1;
	s23 =	sadd.s32 $0x7600, s8;
	[dreg:$0x12] =	wrdreg s22  }
0x15: {  	s6 =	ssub.s32 $0x2, s6;
	s24 =	sadd.s32 $0x7E00, s8;
	[dreg:$0x13] =	wrdreg s23  }
0x16: {  	s26 =	sshrl.u32 s6, $0x1;
	s25 =	sadd.s32 $0x8600, s8;
	[dreg:$0x14] =	wrdreg s24  }
0x17: {  	s3 =	ssub.s32 s6, s26;
	s26 =	sadd.s32 $0x8E00, s8;
	[dreg:$0x15] =	wrdreg s25  }
0x18: {  	s6 =	smul.u32 $0xF420, s5;
	[dreg:$0x17] =	wrdreg s26;
	s17 =	sadd.s32 $0x9600, s8  }
0x19: {  	s18 =	sadd.s32 $0x9E00, s8;
	s19 =	sadd.s32 $0xA600, s8;
	s20 =	sadd.s32 $0xAE00, s8  }
0x1a: {  	s21 =	sadd.s32 $0xB600, s8;
	s22 =	sadd.s32 $0xBE00, s8;
	[dreg:$0x18] =	wrdreg s17  }
0x1b: {  	s23 =	sadd.s32 $0xC600, s8;
	s24 =	sadd.s32 $0xCE00, s8;
	[dreg:$0x19] =	wrdreg s18  }
0x1c: {  	s25 =	sadd.s32 $0x1458, s6;
	s26 =	sadd.s32 $0x28B0, s6;
	[dreg:$0x1a] =	wrdreg s19  }
0x1d: {  	s9 =	sadd.s32 $0x65B8, s6;
	s10 =	sadd.s32 $0x7A10, s6;
	[dreg:$0x1b] =	wrdreg s20  }
0x1e: {  	s11 =	sadd.s32 $0x8E68, s6;
	s12 =	sadd.s32 $0xA2C0, s6;
	[dreg:$0x1c] =	wrdreg s21  }
0x1f: {  	s13 =	sadd.s32 $0xB718, s6;
	s14 =	sadd.s32 $0xCB70, s6;
	[dreg:$0x1d] =	wrdreg s22  }
0x20: {  	s15 =	sadd.s32 $0xDFC8, s6;
	s4 =	sadd.s32 s6, s1;
	[dreg:$0x1e] =	wrdreg s23  }
0x21: {  	s8 =	simm.s32 $0x7;
	[dreg:$0x1f] =	wrdreg s24;
	s17 =	sshrl.u32 s6, $0x3  }
0x22: {  	s18 =	sshrl.u32 s25, $0x3;
	s19 =	sshrl.u32 s26, $0x3;
	s21 =	sadd.s32 $0x3D08, s6  }
0x23: {  	s22 =	sadd.s32 $0x5160, s6;
	[smem:$0x7ED] =	sst s4;
	s5 =	sadd.s32 s25, s1  }
0x24: {  	s25 =	sshrl.u32 s9, $0x3;
	s26 =	sadd.s32 s26, s1;
	s6 =	sshrl.u32 s10, $0x3  }
0x25: {  	s7 =	sadd.s32 s0, s17;
	s20 =	sadd.s32 s0, s19;
	[smem:$0x7EF] =	sst s5  }
0x26: {  	s16 =	sshrl.u32 s21, $0x3;
	s24 =	sshrl.u32 s22, $0x3;
	[smem:$0x7F1] =	sst s26  }
0x27: {  	s17 =	sshrl.u32 s11, $0x3;
	s19 =	sshrl.u32 s12, $0x3;
	[smem:$0x7EA] =	sst s7  }
0x28: {  	s26 =	sadd.s32 s12, s1;
	s5 =	simm.s32 $0x3;
	[smem:$0x7EC] =	sst s20  }
0x29: {  	s12 =	simm.s32 $0xA;
	s7 =	sadd.s32 s0, s18;
	[smem:$0x7FD] =	sst s26  }
0x2a: {  	s23 =	sadd.s32 s0, s16;
	s4 =	sadd.s32 s0, s24;
	[smem:$0x7EB] =	sst s7  }
0x2b: {  	s16 =	sadd.s32 s21, s1;
	s18 =	sadd.s32 s22, s1;
	[smem:$0x7EE] =	sst s23  }
0x2c: {  	s20 =	sadd.s32 s9, s1;
	s21 =	sshrl.u32 s13, $0x3;
	[smem:$0x7F0] =	sst s4  }
0x2d: {  	s22 =	sadd.s32 s10, s1;
	s24 =	sadd.s32 s11, s1;
	[smem:$0x7F3] =	sst s16  }
0x2e: {  	s26 =	smax.u32 s3, $0x1;
	s3 =	simm.s32 $0x2;
	[smem:$0x7F5] =	sst s18  }
0x2f: {  	s9 =	simm.s32 $0x5;
	s10 =	simm.s32 $0x8;
	[smem:$0x7F7] =	sst s20  }
0x30: {  	s11 =	simm.s32 $0x9;
	s4 =	sadd.s32 s0, s25;
	[smem:$0x7F9] =	sst s22  }
0x31: {  	s23 =	sshrl.u32 s14, $0x3;
	[smem:$0x7FB] =	sst s24;
	s25 =	sshrl.u32 s15, $0x3  }
0x32: {  	s22 =	sadd.s32 s13, s1;
	s24 =	sadd.s32 s15, s1;
	s7 =	simm.s32 $0x4  }
0x33: {  	s13 =	simm.s32 $0x1;
	[smem:$0x7F2] =	sst s4;
	s4 =	sadd.s32 s0, s6  }
0x34: {  	s15 =	simm.s32 $0xB;
	[smem:$0x7F4] =	sst s4;
	s4 =	sadd.s32 s0, s17  }
0x35: {  	s16 =	simm.s32 $0x0;
	[smem:$0x7F6] =	sst s4;
	s4 =	sadd.s32 s0, s19  }
0x36: {  	s6 =	simm.s32 $0x6;
	[smem:$0x7F8] =	sst s4;
	s4 =	sadd.s32 s0, s21  }
0x37: {  	s21 =	sadd.s32 s0, s25;
	s25 =	sadd.s32 $0x1E840, s0;
	[smem:$0x7FA] =	sst s4  }
0x38: {  	s4 =	sadd.s32 s0, s23;
	s23 =	sadd.s32 s14, s1;
	s0 =	simm.s32 $0x9300  }
0x39: {  	s14 =	simm.s32 $0x6800;
	[smem:$0x7FC] =	sst s4;
	s4 =	simm.s32 $0xA780  }
.LBB2_1:
0x3a: {  	s17 =	rddreg [dreg:$0x5]  }
0x3b: {  	s20 =	rddreg [dreg:$0x6]  }
0x3c: {  	[tilespmem:s2], [sflag:$0xA] =	stream.linear.gather [hbm4b:s17+s2], $0x200, $0x38;
	[tilespmem:$0x1B028] =	vst v63  }
0x3d: {  	s18 =	simm.s32 $0x200;
	s19 =	rddreg [dreg:$0x7]  }
0x3e: {  	[tilespmem:s18], [sflag:$0xA] =	stream.linear.gather [hbm4b:s20+s2], $0x200, $0x38;
	[tilespmem:$0x1B028] =	vst v63  }
0x3f: {  	s20 =	simm.s32 $0x400;
	s18 =	rddreg [dreg:$0x12]  }
0x40: {  	[tilespmem:s20], [sflag:$0xA] =	stream.linear.gather [hbm4b:s19+s2], $0x200, $0x38;
	[tilespmem:$0x1B028] =	vst v63  }
0x41: {  	s19 =	rddreg [dreg:$0x8];
	s20 =	simm.s32 $0x600  }
0x42: {  	[tilespmem:s20], [sflag:$0xA] =	stream.linear.gather [hbm4b:s19+s2], $0x200, $0x38;
	[tilespmem:$0x1B028] =	vst v63  }
0x43: {  	s19 =	rddreg [dreg:$0x9];
	s20 =	simm.s32 $0x800  }
0x44: {  	[tilespmem:s20], [sflag:$0xA] =	stream.linear.gather [hbm4b:s19+s2], $0x200, $0x38;
	[tilespmem:$0x1B028] =	vst v63  }
0x45: {  	s19 =	rddreg [dreg:$0xa];
	s20 =	simm.s32 $0xA00  }
0x46: {  	[tilespmem:s20], [sflag:$0xA] =	stream.linear.gather [hbm4b:s19+s2], $0x200, $0x38;
	[tilespmem:$0x1B028] =	vst v63  }
0x47: {  	s19 =	rddreg [dreg:$0xb];
	s20 =	simm.s32 $0xC00  }
0x48: {  	[tilespmem:s20], [sflag:$0xA] =	stream.linear.gather [hbm4b:s19+s2], $0x200, $0x38;
	[tilespmem:$0x1B028] =	vst v63  }
0x49: {  	s19 =	rddreg [dreg:$0xc];
	s20 =	simm.s32 $0xE00  }
0x4a: {  	[tilespmem:s20], [sflag:$0xA] =	stream.linear.gather [hbm4b:s19+s2], $0x200, $0x38;
	[tilespmem:$0x1B028] =	vst v63  }
0x4b: {  	s19 =	rddreg [dreg:$0xd];
	s20 =	simm.s32 $0x1000  }
0x4c: {  	[tilespmem:s20], [sflag:$0xA] =	stream.linear.gather [hbm4b:s19+s2], $0x200, $0x38;
	[tilespmem:$0x1B028] =	vst v63  }
0x4d: {  	s19 =	rddreg [dreg:$0xe];
	s20 =	simm.s32 $0x1200  }
0x4e: {  	[tilespmem:s20], [sflag:$0xA] =	stream.linear.gather [hbm4b:s19+s2], $0x200, $0x38;
	[tilespmem:$0x1B028] =	vst v63  }
0x4f: {  	s19 =	rddreg [dreg:$0xf];
	s20 =	simm.s32 $0x1400  }
0x50: {  	[tilespmem:s20], [sflag:$0xA] =	stream.linear.gather [hbm4b:s19+s2], $0x200, $0x38;
	[tilespmem:$0x1B028] =	vst v63  }
0x51: {  	s19 =	rddreg [dreg:$0x10];
	s20 =	simm.s32 $0x1600  }
0x52: {  	[tilespmem:s20], [sflag:$0xA] =	stream.linear.gather [hbm4b:s19+s2], $0x200, $0x38;
	[tilespmem:$0x1B028] =	vst v63  }
0x53: {  	s19 =	rddreg [dreg:$0x11];
	s20 =	simm.s32 $0x1800  }
0x54: {  	[tilespmem:s20], [sflag:$0xA] =	stream.linear.gather [hbm4b:s19+s2], $0x200, $0x38;
	[tilespmem:$0x1B028] =	vst v63  }
0x55: {  	s19 =	rddreg [dreg:$0x13]  }
0x56: {  	[tilespmem:s29], [sflag:$0xA] =	stream.linear.gather [hbm4b:s18+s2], $0x200, $0x38;
	[tilespmem:$0x1B028] =	vst v63  }
0x57: {  	s20 =	simm.s32 $0x1C00;
	s18 =	sld [smem:$0x7EA]  }
0x58: {  	[tilespmem:s20], [sflag:$0xA] =	stream.linear.gather [hbm4b:s19+s2], $0x200, $0x38;
	[tilespmem:$0x1B028] =	vst v63  }
0x59: {  	s19 =	rddreg [dreg:$0x14];
	s20 =	simm.s32 $0x1E00  }
0x5a: {  	[tilespmem:s20], [sflag:$0xA] =	stream.linear.gather [hbm4b:s19+s2], $0x200, $0x38;
	[tilespmem:$0x1B028] =	vst v63  }
0x5b: {  	s19 =	rddreg [dreg:$0x15];
	s20 =	simm.s32 $0x2000  }
0x5c: {  	[tilespmem:s20], [sflag:$0xA] =	stream.linear.gather [hbm4b:s19+s2], $0x200, $0x38;
	[tilespmem:$0x1B028] =	vst v63  }
0x5d: {  	s19 =	rddreg [dreg:$0x17];
	s20 =	simm.s32 $0x2200  }
0x5e: {  	[tilespmem:s20], [sflag:$0xA] =	stream.linear.gather [hbm4b:s19+s2], $0x200, $0x38;
	[tilespmem:$0x1B028] =	vst v63  }
0x5f: {  	s19 =	rddreg [dreg:$0x18];
	s20 =	simm.s32 $0x2400  }
0x60: {  	[tilespmem:s20], [sflag:$0xA] =	stream.linear.gather [hbm4b:s19+s2], $0x200, $0x38;
	[tilespmem:$0x1B028] =	vst v63  }
0x61: {  	s19 =	rddreg [dreg:$0x19];
	s20 =	simm.s32 $0x2600  }
0x62: {  	[tilespmem:s20], [sflag:$0xA] =	stream.linear.gather [hbm4b:s19+s2], $0x200, $0x38;
	[tilespmem:$0x1B028] =	vst v63  }
0x63: {  	s19 =	rddreg [dreg:$0x1a];
	s20 =	simm.s32 $0x2800  }
0x64: {  	[tilespmem:s20], [sflag:$0xA] =	stream.linear.gather [hbm4b:s19+s2], $0x200, $0x38;
	[tilespmem:$0x1B028] =	vst v63  }
0x65: {  	s19 =	rddreg [dreg:$0x1b];
	s20 =	simm.s32 $0x2A00  }
0x66: {  	[tilespmem:s20], [sflag:$0xA] =	stream.linear.gather [hbm4b:s19+s2], $0x200, $0x38;
	[tilespmem:$0x1B028] =	vst v63  }
0x67: {  	s19 =	rddreg [dreg:$0x1c];
	s20 =	simm.s32 $0x2C00  }
0x68: {  	[tilespmem:s20], [sflag:$0xA] =	stream.linear.gather [hbm4b:s19+s2], $0x200, $0x38;
	[tilespmem:$0x1B028] =	vst v63  }
0x69: {  	s19 =	rddreg [dreg:$0x1d];
	s20 =	simm.s32 $0x2E00  }
0x6a: {  	[tilespmem:s20], [sflag:$0xA] =	stream.linear.gather [hbm4b:s19+s2], $0x200, $0x38;
	[tilespmem:$0x1B028] =	vst v63  }
0x6b: {  	s19 =	rddreg [dreg:$0x1e];
	s20 =	simm.s32 $0x3000  }
0x6c: {  	[tilespmem:s20], [sflag:$0xA] =	stream.linear.gather [hbm4b:s19+s2], $0x200, $0x38;
	[tilespmem:$0x1B028] =	vst v63  }
0x6d: {  	s19 =	rddreg [dreg:$0x1f];
	s20 =	simm.s32 $0x3200  }
0x6e: {  	[tilespmem:s20], [sflag:$0xA] =	stream.linear.gather [hbm4b:s19+s2], $0x200, $0x38;
	[tilespmem:$0x1B028] =	vst v63  }
0x6f: {  	s19 =	sld [smem:$0x7EB]  }
0x70: {  	[tilespmem:s30], [sflag:$0x2] =	stream.linear.gather [hbm4b:s18+s2], $0x1458, $0x38;
	[tilespmem:$0x1B028] =	vst v63  }
0x71: {  	s20 =	sld [smem:$0x7EC]  }
0x72: {  	[tilespmem:s31], [sflag:$0x3] =	stream.linear.gather [hbm4b:s19+s2], $0x1458, $0x38;
	[tilespmem:$0x1B028] =	vst v63  }
0x73: {  	_ = 	snop  }
0x74: {  	[tilespmem:s0], [sflag:$0x4] =	stream.linear.gather [hbm4b:s20+s2], $0x1458, $0x38;
	[tilespmem:$0x1B028] =	vst v63  }
0x75: {  	_ =	swait.ge [sflag:s3], $0x1458  }
0x76: {  	s18 =	sld [smem:$0x7ED]  }
0x77: {  	[sflag:s3] =	ssyncset.done $0x0  }
0x78: {  	s19 =	sld [smem:$0x7EE];
	[sflag:s3] =	ssyncadd.s32 $0xFFFFEBA8  }
0x79: {  	[spmem:s18] =	stream.linear.scatter [tilespmem:s30], [sflag:$0x6], $0x1458, $0x38;
	[tilespmem:$0x1B028] =	vst v63  }
0x7a: {  	_ = 	snop  }
0x7b: {  	[tilespmem:s4], [sflag:$0x5] =	stream.linear.gather [hbm4b:s19+s2], $0x1458, $0x38;
	[tilespmem:$0x1B028] =	vst v63  }
0x7c: {  	_ =	swait.ge [sflag:s5], $0x1458  }
0x7d: {  	s20 =	sld [smem:$0x7EF]  }
0x7e: {  	[sflag:s5] =	ssyncset.done $0x0  }
0x7f: {  	[sflag:s5] =	ssyncadd.s32 $0xFFFFEBA8  }
0x80: {  	[spmem:s20] =	stream.linear.scatter [tilespmem:s31], [sflag:$0x7], $0x1458, $0x38;
	[tilespmem:$0x1B028] =	vst v63  }
0x81: {  	_ =	swait.ge [sflag:s6], $0x1458  }
0x82: {  	s18 =	sld [smem:$0x7F0]  }
0x83: {  	[sflag:s6] =	ssyncset.done $0x0  }
0x84: {  	[sflag:s6] =	ssyncadd.s32 $0xFFFFEBA8  }
0x85: {  	[tilespmem:s30], [sflag:$0x2] =	stream.linear.gather [hbm4b:s18+s2], $0x1458, $0x38;
	[tilespmem:$0x1B028] =	vst v63  }
0x86: {  	_ =	swait.ge [sflag:s7], $0x1458  }
0x87: {  	s19 =	sld [smem:$0x7F1]  }
0x88: {  	[sflag:s7] =	ssyncset.done $0x0  }
0x89: {  	[sflag:s7] =	ssyncadd.s32 $0xFFFFEBA8  }
0x8a: {  	[spmem:s19] =	stream.linear.scatter [tilespmem:s0], [sflag:$0x8], $0x1458, $0x38;
	[tilespmem:$0x1B028] =	vst v63  }
0x8b: {  	_ =	swait.ge [sflag:s8], $0x1458  }
0x8c: {  	s20 =	sld [smem:$0x7F2]  }
0x8d: {  	[sflag:s8] =	ssyncset.done $0x0  }
0x8e: {  	[sflag:s8] =	ssyncadd.s32 $0xFFFFEBA8  }
0x8f: {  	[tilespmem:s31], [sflag:$0x3] =	stream.linear.gather [hbm4b:s20+s2], $0x1458, $0x38;
	[tilespmem:$0x1B028] =	vst v63  }
0x90: {  	_ =	swait.ge [sflag:s9], $0x1458  }
0x91: {  	s18 =	sld [smem:$0x7F3]  }
0x92: {  	[sflag:s9] =	ssyncset.done $0x0  }
0x93: {  	[sflag:s9] =	ssyncadd.s32 $0xFFFFEBA8  }
0x94: {  	[spmem:s18] =	stream.linear.scatter [tilespmem:s4], [sflag:$0x9], $0x1458, $0x38;
	[tilespmem:$0x1B028] =	vst v63  }
0x95: {  	_ =	swait.ge [sflag:s10], $0x1458  }
0x96: {  	s19 =	sld [smem:$0x7F4]  }
0x97: {  	[sflag:s10] =	ssyncset.done $0x0  }
0x98: {  	[sflag:s10] =	ssyncadd.s32 $0xFFFFEBA8  }
0x99: {  	[tilespmem:s0], [sflag:$0x4] =	stream.linear.gather [hbm4b:s19+s2], $0x1458, $0x38;
	[tilespmem:$0x1B028] =	vst v63  }
0x9a: {  	_ =	swait.ge [sflag:s3], $0x1458  }
0x9b: {  	s20 =	sld [smem:$0x7F5]  }
0x9c: {  	[sflag:s3] =	ssyncset.done $0x0  }
0x9d: {  	[sflag:s3] =	ssyncadd.s32 $0xFFFFEBA8  }
0x9e: {  	[spmem:s20] =	stream.linear.scatter [tilespmem:s30], [sflag:$0x6], $0x1458, $0x38;
	[tilespmem:$0x1B028] =	vst v63  }
0x9f: {  	_ =	swait.ge [sflag:s11], $0x1458  }
0xa0: {  	s18 =	sld [smem:$0x7F6]  }
0xa1: {  	[sflag:s11] =	ssyncset.done $0x0  }
0xa2: {  	[sflag:s11] =	ssyncadd.s32 $0xFFFFEBA8  }
0xa3: {  	[tilespmem:s4], [sflag:$0x5] =	stream.linear.gather [hbm4b:s18+s2], $0x1458, $0x38;
	[tilespmem:$0x1B028] =	vst v63  }
0xa4: {  	_ =	swait.ge [sflag:s5], $0x1458  }
0xa5: {  	s19 =	sld [smem:$0x7F7]  }
0xa6: {  	[sflag:s5] =	ssyncset.done $0x0  }
0xa7: {  	[sflag:s5] =	ssyncadd.s32 $0xFFFFEBA8  }
0xa8: {  	[spmem:s19] =	stream.linear.scatter [tilespmem:s31], [sflag:$0x7], $0x1458, $0x38;
	[tilespmem:$0x1B028] =	vst v63  }
0xa9: {  	_ =	swait.ge [sflag:s6], $0x1458  }
0xaa: {  	s20 =	sld [smem:$0x7F8]  }
0xab: {  	[sflag:s6] =	ssyncset.done $0x0  }
0xac: {  	[sflag:s6] =	ssyncadd.s32 $0xFFFFEBA8  }
0xad: {  	[tilespmem:s30], [sflag:$0x2] =	stream.linear.gather [hbm4b:s20+s2], $0x1458, $0x38;
	[tilespmem:$0x1B028] =	vst v63  }
0xae: {  	_ =	swait.ge [sflag:s7], $0x1458  }
0xaf: {  	s18 =	sld [smem:$0x7F9]  }
0xb0: {  	[sflag:s7] =	ssyncset.done $0x0  }
0xb1: {  	[sflag:s7] =	ssyncadd.s32 $0xFFFFEBA8  }
0xb2: {  	[spmem:s18] =	stream.linear.scatter [tilespmem:s0], [sflag:$0x8], $0x1458, $0x38;
	[tilespmem:$0x1B028] =	vst v63  }
0xb3: {  	_ =	swait.ge [sflag:s8], $0x1458  }
0xb4: {  	s19 =	sld [smem:$0x7FA]  }
0xb5: {  	[sflag:s8] =	ssyncset.done $0x0  }
0xb6: {  	[sflag:s8] =	ssyncadd.s32 $0xFFFFEBA8  }
0xb7: {  	[tilespmem:s31], [sflag:$0x3] =	stream.linear.gather [hbm4b:s19+s2], $0x1458, $0x38;
	[tilespmem:$0x1B028] =	vst v63  }
0xb8: {  	_ =	swait.ge [sflag:s9], $0x1458  }
0xb9: {  	s20 =	sld [smem:$0x7FB]  }
0xba: {  	[sflag:s9] =	ssyncset.done $0x0  }
0xbb: {  	[sflag:s9] =	ssyncadd.s32 $0xFFFFEBA8  }
0xbc: {  	[spmem:s20] =	stream.linear.scatter [tilespmem:s4], [sflag:$0x9], $0x1458, $0x38;
	[tilespmem:$0x1B028] =	vst v63  }
0xbd: {  	_ =	swait.ge [sflag:s10], $0x1458  }
0xbe: {  	s18 =	sld [smem:$0x7FC]  }
0xbf: {  	[sflag:s10] =	ssyncset.done $0x0  }
0xc0: {  	[sflag:s10] =	ssyncadd.s32 $0xFFFFEBA8  }
0xc1: {  	[tilespmem:s0], [sflag:$0x4] =	stream.linear.gather [hbm4b:s18+s2], $0x1458, $0x38;
	[tilespmem:$0x1B028] =	vst v63  }
0xc2: {  	_ =	swait.ge [sflag:s3], $0x1458  }
0xc3: {  	s19 =	sld [smem:$0x7FD]  }
0xc4: {  	[sflag:s3] =	ssyncset.done $0x0  }
0xc5: {  	[sflag:s3] =	ssyncadd.s32 $0xFFFFEBA8  }
0xc6: {  	[spmem:s19] =	stream.linear.scatter [tilespmem:s30], [sflag:$0x6], $0x1458, $0x38;
	[tilespmem:$0x1B028] =	vst v63  }
0xc7: {  	_ =	swait.ge [sflag:s11], $0x1458  }
0xc8: {  	[sflag:s11] =	ssyncset.done $0x0  }
0xc9: {  	[sflag:s11] =	ssyncadd.s32 $0xFFFFEBA8  }
0xca: {  	[tilespmem:s4], [sflag:$0x5] =	stream.linear.gather [hbm4b:s21+s2], $0x1458, $0x38;
	[tilespmem:$0x1B028] =	vst v63  }
0xcb: {  	_ =	swait.ge [sflag:s5], $0x1458  }
0xcc: {  	[sflag:s5] =	ssyncset.done $0x0  }
0xcd: {  	[sflag:s5] =	ssyncadd.s32 $0xFFFFEBA8  }
0xce: {  	[spmem:s22] =	stream.linear.scatter [tilespmem:s31], [sflag:$0x7], $0x1458, $0x38;
	[tilespmem:$0x1B028] =	vst v63  }
0xcf: {  	_ =	swait.ge [sflag:s7], $0x1458  }
0xd0: {  	[sflag:s7] =	ssyncset.done $0x0  }
0xd1: {  	[sflag:s7] =	ssyncadd.s32 $0xFFFFEBA8  }
0xd2: {  	[spmem:s23] =	stream.linear.scatter [tilespmem:s0], [sflag:$0x8], $0x1458, $0x38;
	[tilespmem:$0x1B028] =	vst v63  }
0xd3: {  	_ =	swait.ge [sflag:s9], $0x1458  }
0xd4: {  	[sflag:s9] =	ssyncset.done $0x0  }
0xd5: {  	[sflag:s9] =	ssyncadd.s32 $0xFFFFEBA8  }
0xd6: {  	[spmem:s24] =	stream.linear.scatter [tilespmem:s4], [sflag:$0x9], $0x1458, $0x38;
	[tilespmem:$0x1B028] =	vst v63  }
0xd7: {  	_ =	swait.ge [sflag:s6], $0x1458  }
0xd8: {  	[sflag:s6] =	ssyncset.done $0x0  }
0xd9: {  	[sflag:s6] =	ssyncadd.s32 $0xFFFFEBA8  }
0xda: {  	_ =	swait.ge [sflag:s8], $0x1458  }
0xdb: {  	[sflag:s8] =	ssyncset.done $0x0  }
0xdc: {  	[sflag:s8] =	ssyncadd.s32 $0xFFFFEBA8  }
0xdd: {  	_ =	swait.ge [sflag:s10], $0x1458  }
0xde: {  	[sflag:s10] =	ssyncset.done $0x0  }
0xdf: {  	[sflag:s10] =	ssyncadd.s32 $0xFFFFEBA8  }
0xe0: {  	_ =	swait.ge [sflag:s11], $0x1458  }
0xe1: {  	[sflag:s11] =	ssyncset.done $0x0  }
0xe2: {  	s17 =	simm.s32 @!p0 $0x0;
	s18 =	simm.s32 @!p0 $0x6A00;
	[sflag:s11] =	ssyncadd.s32 $0xFFFFEBA8  }
0xe3: {  	[tilespmem:s18], [sflag:$0x2] =	stream.linear.gather @!p0 [hbm4b:s25+s17], $0x40, $0x38;
	[tilespmem:$0x1B028] =	vst v63  }
0xe4: {  	s17 =	simm.s32 @!p0 $0x2  }
0xe5: {  	_ =	swait.ge @!p0 [sflag:s17], $0x40  }
0xe6: {  	[sflag:s17] =	ssyncset.done @!p0 $0x0  }
0xe7: {  	[sflag:s17] =	ssyncadd.s32 @!p0 $0xFFFFFFC0;
	s17 =	simm.s32 @!p0 $0x6  }
0xe8: {  	[spmem:s28] =	stream.linear.scatter @!p0 [tilespmem:s18], [sflag:$0x6], $0x40, $0x38;
	[tilespmem:$0x1B028] =	vst v63  }
0xe9: {  	_ =	swait.ge @!p0 [sflag:s17], $0x40  }
0xea: {  	[sflag:s17] =	ssyncset.done @!p0 $0x0  }
0xeb: {  	[sflag:s17] =	ssyncadd.s32 @!p0 $0xFFFFFFC0  }
0xec: {  	_ =	swait.ge [sflag:s12], $0x200  }
0xed: {  	[sflag:s12] =	ssyncset.done $0x0  }
0xee: {  	[sflag:s12] =	ssyncadd.s32 $0xFFFFFE00  }
0xef: {  	_ =	swait.ge [sflag:s12], $0x200  }
0xf0: {  	[sflag:s12] =	ssyncset.done $0x0  }
0xf1: {  	[sflag:s12] =	ssyncadd.s32 $0xFFFFFE00  }
0xf2: {  	_ =	swait.ge [sflag:s12], $0x200  }
0xf3: {  	[sflag:s12] =	ssyncset.done $0x0  }
0xf4: {  	[sflag:s12] =	ssyncadd.s32 $0xFFFFFE00  }
0xf5: {  	_ =	swait.ge [sflag:s12], $0x200  }
0xf6: {  	[sflag:s12] =	ssyncset.done $0x0  }
0xf7: {  	[sflag:s12] =	ssyncadd.s32 $0xFFFFFE00  }
0xf8: {  	_ =	swait.ge [sflag:s12], $0x200  }
0xf9: {  	[sflag:s12] =	ssyncset.done $0x0  }
0xfa: {  	[sflag:s12] =	ssyncadd.s32 $0xFFFFFE00  }
0xfb: {  	_ =	swait.ge [sflag:s12], $0x200  }
0xfc: {  	[sflag:s12] =	ssyncset.done $0x0  }
0xfd: {  	[sflag:s12] =	ssyncadd.s32 $0xFFFFFE00  }
0xfe: {  	_ =	swait.ge [sflag:s12], $0x200  }
0xff: {  	[sflag:s12] =	ssyncset.done $0x0  }
0x100: {  	[sflag:s12] =	ssyncadd.s32 $0xFFFFFE00  }
0x101: {  	_ =	swait.ge [sflag:s12], $0x200  }
0x102: {  	[sflag:s12] =	ssyncset.done $0x0  }
0x103: {  	[sflag:s12] =	ssyncadd.s32 $0xFFFFFE00  }
0x104: {  	_ =	swait.ge [sflag:s12], $0x200  }
0x105: {  	[sflag:s12] =	ssyncset.done $0x0  }
0x106: {  	[sflag:s12] =	ssyncadd.s32 $0xFFFFFE00  }
0x107: {  	_ =	swait.ge [sflag:s12], $0x200  }
0x108: {  	[sflag:s12] =	ssyncset.done $0x0  }
0x109: {  	[sflag:s12] =	ssyncadd.s32 $0xFFFFFE00  }
0x10a: {  	_ =	swait.ge [sflag:s12], $0x200  }
0x10b: {  	[sflag:s12] =	ssyncset.done $0x0  }
0x10c: {  	[sflag:s12] =	ssyncadd.s32 $0xFFFFFE00  }
0x10d: {  	_ =	swait.ge [sflag:s12], $0x200  }
0x10e: {  	[sflag:s12] =	ssyncset.done $0x0  }
0x10f: {  	[sflag:s12] =	ssyncadd.s32 $0xFFFFFE00  }
0x110: {  	_ =	swait.ge [sflag:s12], $0x200  }
0x111: {  	[sflag:s12] =	ssyncset.done $0x0  }
0x112: {  	[sflag:s12] =	ssyncadd.s32 $0xFFFFFE00  }
0x113: {  	_ =	swait.ge [sflag:s12], $0x200  }
0x114: {  	[sflag:s12] =	ssyncset.done $0x0  }
0x115: {  	[sflag:s12] =	ssyncadd.s32 $0xFFFFFE00  }
0x116: {  	_ =	swait.ge [sflag:s12], $0x200  }
0x117: {  	[sflag:s12] =	ssyncset.done $0x0  }
0x118: {  	[sflag:s12] =	ssyncadd.s32 $0xFFFFFE00  }
0x119: {  	_ =	swait.ge [sflag:s12], $0x200  }
0x11a: {  	[sflag:s12] =	ssyncset.done $0x0  }
0x11b: {  	[sflag:s12] =	ssyncadd.s32 $0xFFFFFE00  }
0x11c: {  	_ =	swait.ge [sflag:s12], $0x200  }
0x11d: {  	[sflag:s12] =	ssyncset.done $0x0  }
0x11e: {  	[sflag:s12] =	ssyncadd.s32 $0xFFFFFE00  }
0x11f: {  	_ =	swait.ge [sflag:s12], $0x200  }
0x120: {  	[sflag:s12] =	ssyncset.done $0x0  }
0x121: {  	[sflag:s12] =	ssyncadd.s32 $0xFFFFFE00  }
0x122: {  	_ =	swait.ge [sflag:s12], $0x200  }
0x123: {  	[sflag:s12] =	ssyncset.done $0x0  }
0x124: {  	[sflag:s12] =	ssyncadd.s32 $0xFFFFFE00  }
0x125: {  	_ =	swait.ge [sflag:s12], $0x200  }
0x126: {  	[sflag:s12] =	ssyncset.done $0x0  }
0x127: {  	[sflag:s12] =	ssyncadd.s32 $0xFFFFFE00  }
0x128: {  	_ =	swait.ge [sflag:s12], $0x200  }
0x129: {  	[sflag:s12] =	ssyncset.done $0x0  }
0x12a: {  	[sflag:s12] =	ssyncadd.s32 $0xFFFFFE00  }
0x12b: {  	_ =	swait.ge [sflag:s12], $0x200  }
0x12c: {  	[sflag:s12] =	ssyncset.done $0x0  }
0x12d: {  	[sflag:s12] =	ssyncadd.s32 $0xFFFFFE00  }
0x12e: {  	_ =	swait.ge [sflag:s12], $0x200  }
0x12f: {  	[sflag:s12] =	ssyncset.done $0x0  }
0x130: {  	[sflag:s12] =	ssyncadd.s32 $0xFFFFFE00  }
0x131: {  	_ =	swait.ge [sflag:s12], $0x200  }
0x132: {  	[sflag:s12] =	ssyncset.done $0x0  }
0x133: {  	[sflag:s12] =	ssyncadd.s32 $0xFFFFFE00  }
0x134: {  	_ =	swait.ge [sflag:s12], $0x200  }
0x135: {  	[sflag:s12] =	ssyncset.done $0x0  }
0x136: {  	[sflag:s12] =	ssyncadd.s32 $0xFFFFFE00  }
0x137: {  	_ =	swait.ge [sflag:s12], $0x200  }
0x138: {  	[sflag:s12] =	ssyncset.done $0x0  }
0x139: {  	[sflag:s12] =	ssyncadd.s32 $0xFFFFFE00  }
0x13a: {  	s17 =	simm.s32 $0x3400;
	[bflag:$0x0] =	sbarrier.arrive $0xFFFF  }
0x13b: {  	[tilespmem:s17], [sflag:$0x1] =	stream.indirect.gather [spmem:s1], $0x1, s2, s29, $0xb8;
	[tilespmem:$0x1B028] =	vst v63  }
0x13c: {  	s20 =	simm.s32 $0x4E00  }
0x13d: {  	[tilespmem:s20], [sflag:$0x2] =	stream.indirect.gather [spmem:s1], $0x1, s29, s29, $0xb8;
	[tilespmem:$0x1B028] =	vst v63  }
0x13e: {  	_ =	swait.ge [sflag:s13], $0x1A00  }
0x13f: {  	[sflag:s13] =	ssyncset.done $0x0  }
0x140: {  	s19 =	sand.u32 $0x1F0, s2;
	[sflag:s13] =	ssyncadd.s32 $0xFFFFE600  }
0x141: {  	v0 =	vld [tilespmem:s19+$0x3600]  }
0x142: {  	v1 =	vld [tilespmem:s17+$0x0];
	_ =	sdelay $0x1  }
0x143: {  	v2 =	vld [tilespmem:s19+$0x3800];
	_ =	sdelay $0x1  }
0x144: {  	v3 =	vld [tilespmem:s19+$0x3A00]  }
0x145: {  	v0 =	vadd.f32 v0, v1  }
0x146: {  	v1 =	vld [tilespmem:s19+$0x3C00]  }
0x147: {  	v0 =	vadd.f32 v2, v0  }
0x148: {  	v2 =	vld [tilespmem:s19+$0x3E00]  }
0x149: {  	v0 =	vadd.f32 v3, v0  }
0x14a: {  	v3 =	vld [tilespmem:s19+$0x4000]  }
0x14b: {  	v0 =	vadd.f32 v1, v0  }
0x14c: {  	v1 =	vld [tilespmem:s19+$0x4200]  }
0x14d: {  	v0 =	vadd.f32 v2, v0  }
0x14e: {  	v2 =	vld [tilespmem:s19+$0x4400]  }
0x14f: {  	v0 =	vadd.f32 v3, v0  }
0x150: {  	v3 =	vld [tilespmem:s19+$0x4600]  }
0x151: {  	v0 =	vadd.f32 v1, v0  }
0x152: {  	v1 =	vld [tilespmem:s19+$0x4800]  }
0x153: {  	v0 =	vadd.f32 v2, v0  }
0x154: {  	v2 =	vld [tilespmem:s19+$0x4A00]  }
0x155: {  	v0 =	vadd.f32 v3, v0  }
0x156: {  	v3 =	vld [tilespmem:s19+$0x4C00]  }
0x157: {  	v0 =	vadd.f32 v1, v0;
	_ =	sdelay $0x1  }
0x158: {  	v0 =	vadd.f32 v2, v0;
	_ =	sdelay $0x1  }
0x159: {  	v0 =	vadd.f32 v3, v0  }
0x15a: {  	s20 =	simm.s32 $0x10  }
0x15b: {  	s18 =	sand.u32 $0x1F0, s20;
	[tilespmem:s14+$0x0] =	vst v0  }
0x15c: {  	s20 =	simm.s32 $0x20;
	s17 =	simm.s32 $0x6800;
	s19 =	simm.s32 $0x3410;
	v0 =	vld [tilespmem:s18+$0x3600]  }
.LBB2_2:
0x15d: {  	p1 =	sne.s32 s20, $0x1F0;
	v1 =	vld [tilespmem:s19+$0x0];
	_ =	sdelay $0x1  }
0x15e: {  	v2 =	vld [tilespmem:s18+$0x3800];
	_ =	sdelay $0x1  }
0x15f: {  	v3 =	vld [tilespmem:s18+$0x3A00]  }
0x160: {  	v0 =	vadd.f32 v0, v1  }
0x161: {  	v1 =	vld [tilespmem:s18+$0x3C00]  }
0x162: {  	v0 =	vadd.f32 v2, v0  }
0x163: {  	v2 =	vld [tilespmem:s18+$0x3E00]  }
0x164: {  	v0 =	vadd.f32 v3, v0  }
0x165: {  	v3 =	vld [tilespmem:s18+$0x4000]  }
0x166: {  	v0 =	vadd.f32 v1, v0  }
0x167: {  	v1 =	vld [tilespmem:s18+$0x4200]  }
0x168: {  	v0 =	vadd.f32 v2, v0  }
0x169: {  	v2 =	vld [tilespmem:s18+$0x4400]  }
0x16a: {  	v0 =	vadd.f32 v3, v0  }
0x16b: {  	v3 =	vld [tilespmem:s18+$0x4600]  }
0x16c: {  	v0 =	vadd.f32 v1, v0  }
0x16d: {  	v1 =	vld [tilespmem:s18+$0x4800]  }
0x16e: {  	v0 =	vadd.f32 v2, v0  }
0x16f: {  	v2 =	vld [tilespmem:s18+$0x4A00]  }
0x170: {  	v0 =	vadd.f32 v3, v0  }
0x171: {  	v3 =	vld [tilespmem:s18+$0x4C00]  }
0x172: {  	v0 =	vadd.f32 v1, v0;
	_ =	sdelay $0x1  }
0x173: {  	v0 =	vadd.f32 v2, v0  }
.Ltmp0:
0x174: {  	(pc) =	sbr.rel @p1 .LBB2_2-.Ltmp0, $4  }
0x175: {  	v0 =	vadd.f32 v3, v0  }
0x176: {  	s17 =	sadd.s32 $0x10, s17  }
0x177: {  	s18 =	sand.u32 $0x1F0, s20;
	[tilespmem:s17+$0x0] =	vst v0  }
0x178: {  	s19 =	sadd.s32 $0x10, s19;
	s20 =	sadd.s32 $0x10, s20;
	v0 =	vld [tilespmem:s18+$0x3600]  }
0x179: {  	v1 =	vld [tilespmem:s19+$0x0];
	_ =	sdelay $0x1  }
0x17a: {  	v2 =	vld [tilespmem:s18+$0x3800];
	_ =	sdelay $0x1  }
0x17b: {  	v3 =	vld [tilespmem:s18+$0x3A00]  }
0x17c: {  	v0 =	vadd.f32 v0, v1  }
0x17d: {  	v1 =	vld [tilespmem:s18+$0x3C00]  }
0x17e: {  	v0 =	vadd.f32 v2, v0  }
0x17f: {  	v2 =	vld [tilespmem:s18+$0x3E00]  }
0x180: {  	v0 =	vadd.f32 v3, v0  }
0x181: {  	v3 =	vld [tilespmem:s18+$0x4000]  }
0x182: {  	v0 =	vadd.f32 v1, v0  }
0x183: {  	v1 =	vld [tilespmem:s18+$0x4200]  }
0x184: {  	v0 =	vadd.f32 v2, v0  }
0x185: {  	v2 =	vld [tilespmem:s18+$0x4400]  }
0x186: {  	v0 =	vadd.f32 v3, v0  }
0x187: {  	v3 =	vld [tilespmem:s18+$0x4600]  }
0x188: {  	v0 =	vadd.f32 v1, v0  }
0x189: {  	v1 =	vld [tilespmem:s18+$0x4800]  }
0x18a: {  	v0 =	vadd.f32 v2, v0  }
0x18b: {  	v2 =	vld [tilespmem:s18+$0x4A00]  }
0x18c: {  	v0 =	vadd.f32 v3, v0  }
0x18d: {  	v3 =	vld [tilespmem:s18+$0x4C00]  }
0x18e: {  	v0 =	vadd.f32 v1, v0;
	_ =	sdelay $0x1  }
0x18f: {  	v0 =	vadd.f32 v2, v0;
	_ =	sdelay $0x1  }
0x190: {  	v0 =	vadd.f32 v3, v0  }
0x191: {  	s17 =	sadd.s32 $0x10, s17  }
0x192: {  	[tilespmem:s17+$0x0] =	vst v0  }
0x193: {  	_ =	swait.ge [sflag:s3], $0x1A00  }
0x194: {  	s20 =	simm.s32 $0x0;
	[sflag:s3] =	ssyncset.done $0x0  }
0x195: {  	s18 =	sand.u32 $0x1F0, s20;
	[sflag:s3] =	ssyncadd.s32 $0xFFFFE600  }
0x196: {  	s19 =	simm.s32 $0x10;
	s17 =	simm.s32 $0x6800;
	v0 =	vld [tilespmem:s18+$0x4E00]  }
.LBB2_4:
0x197: {  	p1 =	sne.s32 s19, $0x1F0;
	v1 =	vld [tilespmem:s17+$0x0];
	_ =	sdelay $0x1  }
0x198: {  	v2 =	vld [tilespmem:s18+$0x5000];
	_ =	sdelay $0x1  }
0x199: {  	v3 =	vld [tilespmem:s18+$0x5200]  }
0x19a: {  	v0 =	vadd.f32 v0, v1  }
0x19b: {  	v1 =	vld [tilespmem:s18+$0x5400]  }
0x19c: {  	v0 =	vadd.f32 v2, v0  }
0x19d: {  	v2 =	vld [tilespmem:s18+$0x5600]  }
0x19e: {  	v0 =	vadd.f32 v3, v0  }
0x19f: {  	v3 =	vld [tilespmem:s18+$0x5800]  }
0x1a0: {  	v0 =	vadd.f32 v1, v0  }
0x1a1: {  	v1 =	vld [tilespmem:s18+$0x5A00]  }
0x1a2: {  	v0 =	vadd.f32 v2, v0  }
0x1a3: {  	v2 =	vld [tilespmem:s18+$0x5C00]  }
0x1a4: {  	v0 =	vadd.f32 v3, v0  }
0x1a5: {  	v3 =	vld [tilespmem:s18+$0x5E00]  }
0x1a6: {  	v0 =	vadd.f32 v1, v0  }
0x1a7: {  	v1 =	vld [tilespmem:s18+$0x6000]  }
0x1a8: {  	v0 =	vadd.f32 v2, v0  }
0x1a9: {  	v2 =	vld [tilespmem:s18+$0x6200]  }
0x1aa: {  	v0 =	vadd.f32 v3, v0  }
0x1ab: {  	v3 =	vld [tilespmem:s18+$0x6400]  }
0x1ac: {  	v0 =	vadd.f32 v1, v0  }
0x1ad: {  	v1 =	vld [tilespmem:s18+$0x6600]  }
0x1ae: {  	v0 =	vadd.f32 v2, v0;
	_ =	sdelay $0x1  }
0x1af: {  	v0 =	vadd.f32 v3, v0  }
.Ltmp1:
0x1b0: {  	(pc) =	sbr.rel @p1 .LBB2_4-.Ltmp1, $3  }
0x1b1: {  	v0 =	vadd.f32 v1, v0;
	_ =	sdelay $0x1  }
0x1b2: {  	s18 =	sand.u32 $0x1F0, s19;
	[tilespmem:s17+$0x0] =	vst v0  }
0x1b3: {  	s19 =	sadd.s32 $0x10, s19;
	s17 =	sadd.s32 $0x10, s17;
	v0 =	vld [tilespmem:s18+$0x4E00]  }
0x1b4: {  	v1 =	vld [tilespmem:s17+$0x0];
	_ =	sdelay $0x1  }
0x1b5: {  	v2 =	vld [tilespmem:s18+$0x5000];
	_ =	sdelay $0x1  }
0x1b6: {  	v3 =	vld [tilespmem:s18+$0x5200]  }
0x1b7: {  	v0 =	vadd.f32 v0, v1  }
0x1b8: {  	v54 =	vld [tilespmem:s18+$0x5400]  }
0x1b9: {  	v0 =	vadd.f32 v2, v0  }
0x1ba: {  	v55 =	vld [tilespmem:s18+$0x5600]  }
0x1bb: {  	v0 =	vadd.f32 v3, v0  }
0x1bc: {  	v56 =	vld [tilespmem:s18+$0x5800]  }
0x1bd: {  	v0 =	vadd.f32 v54, v0  }
0x1be: {  	v57 =	vld [tilespmem:s18+$0x5A00]  }
0x1bf: {  	v0 =	vadd.f32 v55, v0  }
0x1c0: {  	v58 =	vld [tilespmem:s18+$0x5C00]  }
0x1c1: {  	v0 =	vadd.f32 v56, v0  }
0x1c2: {  	v59 =	vld [tilespmem:s18+$0x5E00]  }
0x1c3: {  	v0 =	vadd.f32 v57, v0  }
0x1c4: {  	v60 =	vld [tilespmem:s18+$0x6000]  }
0x1c5: {  	v0 =	vadd.f32 v58, v0  }
0x1c6: {  	v61 =	vld [tilespmem:s18+$0x6200]  }
0x1c7: {  	v0 =	vadd.f32 v59, v0  }
0x1c8: {  	v62 =	vld [tilespmem:s18+$0x6400]  }
0x1c9: {  	v0 =	vadd.f32 v60, v0  }
0x1ca: {  	v63 =	vld [tilespmem:s18+$0x6600]  }
0x1cb: {  	v0 =	vadd.f32 v61, v0;
	_ =	sdelay $0x1  }
0x1cc: {  	v0 =	vadd.f32 v62, v0;
	_ =	sdelay $0x1  }
0x1cd: {  	s16 =	sadd.s32 $0x1, s16;
	v0 =	vadd.f32 v63, v0  }
0x1ce: {  	p1 =	sne.s32 s16, s26  }
.Ltmp2:
0x1cf: {  	s20 =	rddreg [dreg:$0x16];
	[tilespmem:s17+$0x0] =	vst v0;
	(pc) =	sbr.rel @p1 .LBB2_1-.Ltmp2, $4  }
0x1d0: {  	[hbm4b:s20+s2] =	stream.linear.scatter [tilespmem:s14], [sflag:$0xB], $0x200, $0x38;
	[tilespmem:$0x1B028] =	vst v63  }
0x1d1: {  	_ =	swait.ge [sflag:s15], $0x200  }
0x1d2: {  	[sflag:s15] =	ssyncset.done $0x0  }
0x1d3: {  	[sflag:s15] =	ssyncadd.s32 $0xFFFFFE00  }
0x1d4: {  	_ =	sfence.sel $0x180000  }
0x1d5: {  	[bflag:$0x0] =	sbarrier.arrive $0xFFFF  }
0x1d6: {  	_ =	strace $0x90000047  }
0x1d7: {  	[bflag:$0x2] =	sbarrier.arrive $0xFFFF  }
0x1d8: {  	s0 =	rddreg [dreg:$0x4]  }
0x1d9: {  	s0 =	sadd.s32 @!p0 $0x100000, s0  }
0x1da: {  	[sflag:s0] =	ssyncadd.tile.s32 @!p0 $0x1;
	_ =	shalt  }
.Lfunc_end2:
_tile_overlayer_lowered:
.L_overlay_start_2:
0x1db: {  	(tag) =	ssettag $0x2  }
0x1dc: {  	s0 =	rddreg [dreg:$0x0];
	s2 =	stileid.u32  }
0x1dd: {  	s1 =	rddreg [dreg:$0x1];
	p0 =	sne.s32 s2, $0x0  }
0x1de: {  	s3 =	rddreg [dreg:$0x2];
	[bflag:$0x3] =	sbarrier.arrive $0xFFFF;
	s2 =	simm.s32 @!p0 $0x1C0B  }
0x1df: {  	[timem:s3], [sflag:s2] =	dma.local @!p0 [hbm:s0], s1  }
0x1e0: {  	s0 =	simm.s32 @!p0 $0xB  }
0x1e1: {  	_ =	swait.ge @!p0 [sflag:s0], s1  }
0x1e2: {  	s1 =	ssub.s32 @!p0 $0x0, s1;
	[sflag:s0] =	ssyncset.done @!p0 $0x0  }
0x1e3: {  	[sflag:s0] =	ssyncadd.s32 @!p0 s1  }
0x1e4: {  	[bflag:$0x3] =	sbarrier.arrive $0xFFFF  }
0x1e5: {  	_ =	shalt  }

</sc_bundles>
